<compile_context>
chip_gen: v7x
topology: tpu7x:2x2x1
jax: 0.10.2.dev20260603
libtpu: 0.0.44.dev20260713+nightly
codegen_flags: <defaults>
</compile_context>

<pallas_src>
import functools

import jax
import jax.numpy as jnp
from jax import lax
from jax.experimental import pallas as pl
from jax.experimental.pallas import tpu as pltpu
from jax.experimental.pallas import tpu_sc as plsc

NC = 2
NS = 16
CPT = 4
ECHUNK = 2000
NBUF = 2


def _sc_edge_kernel(N, D, E):
    n_tiles = NC * NS
    n_chunks = E // ECHUNK
    groups = ECHUNK // 16
    e_per_tile = E // n_tiles
    hchunk = 2000
    hist_chunks = e_per_tile // hchunk
    hgroups = hchunk // 16

    mesh = plsc.VectorSubcoreMesh(core_axis_name="c", subcore_axis_name="s")

    @functools.partial(
        pl.kernel,
        out_type=[
            jax.ShapeDtypeStruct((n_tiles, CPT * N), jnp.float32),
            jax.ShapeDtypeStruct((n_tiles, N), jnp.float32),
        ],
        mesh=mesh,
        scratch_types=[
            pltpu.VMEM((CPT * N,), jnp.float32),
            pltpu.VMEM((CPT * N,), jnp.float32),
            pltpu.VMEM((N,), jnp.float32),
            [pltpu.VMEM((ECHUNK,), jnp.int32) for _ in range(NBUF)],
            [pltpu.VMEM((ECHUNK,), jnp.int32) for _ in range(NBUF)],
            [pltpu.SemaphoreType.DMA for _ in range(NBUF)],
            [pltpu.SemaphoreType.DMA for _ in range(NBUF)],
        ],
        compiler_params=pltpu.CompilerParams(needs_layout_passes=False),
    )
    def sc_kernel(nft_hbm, src_hbm, dst_hbm, z4_hbm,
                  acc_out, hist_out,
                  nf_v, acc_v, hist_v, src_bufs, dst_bufs,
                  src_sems, dst_sems):
        c = lax.axis_index("c")
        s = lax.axis_index("s")
        w = c * NS + s

        jbase = [jnp.full((16,), j * N, jnp.int32) for j in range(CPT)]
        ones16 = jnp.ones((16,), jnp.float32)

        pltpu.sync_copy(nft_hbm.at[w], nf_v)
        pltpu.sync_copy(z4_hbm, acc_v)
        pltpu.sync_copy(z4_hbm.at[pl.ds(0, N)], hist_v)

        def issue(ch, b):
            base = ch * ECHUNK
            pltpu.async_copy(src_hbm.at[pl.ds(base, ECHUNK)],
                             src_bufs[b], src_sems[b])
            pltpu.async_copy(dst_hbm.at[pl.ds(base, ECHUNK)],
                             dst_bufs[b], dst_sems[b])

        def wait(ch, b):
            base = ch * ECHUNK
            pltpu.make_async_copy(src_hbm.at[pl.ds(base, ECHUNK)],
                                  src_bufs[b], src_sems[b]).wait()
            pltpu.make_async_copy(dst_hbm.at[pl.ds(base, ECHUNK)],
                                  dst_bufs[b], dst_sems[b]).wait()

        def process(b):
            src_c = src_bufs[b]
            dst_c = dst_bufs[b]

            @plsc.parallel_loop(0, groups, unroll=5)
            def _(k):
                src16 = src_c[pl.ds(k * 16, 16)]
                dst16 = dst_c[pl.ds(k * 16, 16)]
                for j in range(CPT):
                    v = plsc.load_gather(nf_v, [src16 + jbase[j]])
                    plsc.addupdate_scatter(acc_v, [dst16 + jbase[j]], v)

        for b in range(NBUF):
            issue(b, b)

        def outer(i, carry):
            for b in range(NBUF):
                ch = i * NBUF + b
                wait(ch, b)
                process(b)

                @pl.when(ch + NBUF < n_chunks)
                def _():
                    issue(ch + NBUF, b)

            return carry

        lax.fori_loop(0, n_chunks // NBUF, outer, 0)

        def hist_chunk(ch, carry):
            base = w * e_per_tile + ch * hchunk
            pltpu.sync_copy(dst_hbm.at[pl.ds(base, hchunk)],
                            dst_bufs[0].at[pl.ds(0, hchunk)])

            @plsc.parallel_loop(0, hgroups, unroll=5)
            def _(k):
                dst16 = dst_bufs[0][pl.ds(k * 16, 16)]
                plsc.addupdate_scatter(hist_v, [dst16], ones16)

            return carry

        lax.fori_loop(0, hist_chunks, hist_chunk, 0)

        pltpu.sync_copy(acc_v, acc_out.at[w])
        pltpu.sync_copy(hist_v, hist_out.at[w])

    return sc_kernel


def _combine_kernel(N, D, n_tiles):
    def body(acc_ref, hist_ref, nft_ref, out_ref):
        deg = jnp.sum(hist_ref[...], axis=0)
        t = acc_ref[...] + deg[None, :] * nft_ref[...]
        out_ref[...] = t.T

    return pl.pallas_call(
        body,
        out_shape=jax.ShapeDtypeStruct((N, D), jnp.float32),
    )


def kernel(node_feat, edge_index):
    N, D = node_feat.shape
    E = edge_index.shape[1]
    n_tiles = NC * NS
    src = edge_index[0]
    dst = edge_index[1]
    nft = node_feat.T.reshape(n_tiles, CPT * N)
    z4 = jnp.zeros((CPT * N,), jnp.float32)
    acc, hist = _sc_edge_kernel(N, D, E)(nft, src, dst, z4)
    acc128 = acc.reshape(D, N)
    nft128 = nft.reshape(D, N)
    return _combine_kernel(N, D, n_tiles)(acc128, hist, nft128)

# --- scband reference (transcript-rebuilt; emitter-appended) ---
"""Pipeline reference for scband-sirconv-30434138259922 (READ-ONLY COPY).

The authoritative reference and input builder live on the scoring server;
editing this copy changes nothing except your own understanding.
"""

import jax, jax.numpy as jnp
import numpy as np

N = 10000
E = 320000
D = 128


def setup_inputs(seed: int = 0) -> dict:
    key = jax.random.key(seed)
    k1, k2 = jax.random.split(key)
    node_feat = jax.random.normal(k1, (N, D), dtype=jnp.float32)
    edge_index = jax.random.randint(k2, (2, E), 0, N, dtype=jnp.int32)
    return {"node_feat": node_feat, "edge_index": edge_index}


def reference(node_feat, edge_index):
    # SIRConv with all mods = Identity, agg_type='sum':
    #   m_e = eq[dst_e] + ek[src_e]   (norm == 1 for non-'sym' agg)
    #   rst[u] = sum_{e: dst_e == u} m_e
    src = edge_index[0]
    dst = edge_index[1]
    eq = node_feat  # mod_query = Identity
    ek = node_feat  # mod_key = Identity
    m = eq[dst] + ek[src]  # mod_rel = Identity, gather per edge
    rst = jax.ops.segment_sum(m, dst, num_segments=N)  # scatter-add by dst
    return rst  # mod_comb = Identity, no residual

if __name__ == "__main__":
    import jax
    _d = setup_inputs()
    print(jax.jit(kernel)(*tuple(_d.values())))

</pallas_src>

<mosaic_0001>
#map = affine_map<(d0, d1) -> (0, 0)>
#map1 = affine_map<(d0, d1) -> (0)>
module attributes {stable_mosaic.version = 14 : i64} {
  func.func @sc_kernel(%arg0: i32, %arg1: i32, %arg2: memref<32x40000xf32, #tpu.memory_space<hbm>>, %arg3: memref<320000xi32, #tpu.memory_space<hbm>>, %arg4: memref<320000xi32, #tpu.memory_space<hbm>>, %arg5: memref<40000xf32, #tpu.memory_space<hbm>>, %arg6: memref<32x40000xf32, #tpu.memory_space<hbm>>, %arg7: memref<32x10000xf32, #tpu.memory_space<hbm>>, %arg8: memref<40000xf32, #tpu.memory_space<vmem>>, %arg9: memref<40000xf32, #tpu.memory_space<vmem>>, %arg10: memref<10000xf32, #tpu.memory_space<vmem>>, %arg11: memref<2000xi32, #tpu.memory_space<vmem>>, %arg12: memref<2000xi32, #tpu.memory_space<vmem>>, %arg13: memref<2000xi32, #tpu.memory_space<vmem>>, %arg14: memref<2000xi32, #tpu.memory_space<vmem>>, %arg15: memref<!tpu.dma_semaphore, #tpu.memory_space<semaphore_mem>>, %arg16: memref<!tpu.dma_semaphore, #tpu.memory_space<semaphore_mem>>, %arg17: memref<!tpu.dma_semaphore, #tpu.memory_space<semaphore_mem>>, %arg18: memref<!tpu.dma_semaphore, #tpu.memory_space<semaphore_mem>>) attributes {dimension_semantics = [#tpu.dimension_semantics<core_parallel>, #tpu.dimension_semantics<subcore_parallel>], iteration_bounds = array<i64: 2, 16>, scalar_prefetch = 0 : i64, scratch_operands = 11 : i64, tpu.core_type = #tpu.core_type<sc_vector_subcore>, window_params = [{transform_indices = #map}, {transform_indices = #map1}, {transform_indices = #map1}, {transform_indices = #map1}, {transform_indices = #map}, {transform_indices = #map}]} {
    %mul3A = arith.constant 16 : i32
    %mul3A_0 = arith.muli %arg0, %mul3A : i32
    %add3A = arith.addi %mul3A_0, %arg1 : i32
    %broadcast_in_dim3A = arith.constant 0 : i32
    %broadcast_in_dim3A_1 = vector.broadcast %broadcast_in_dim3A : i32 to vector<16xi32>
    %broadcast_in_dim3A_2 = arith.constant 10000 : i32
    %broadcast_in_dim3A_3 = vector.broadcast %broadcast_in_dim3A_2 : i32 to vector<16xi32>
    %broadcast_in_dim3A_4 = arith.constant 20000 : i32
    %broadcast_in_dim3A_5 = vector.broadcast %broadcast_in_dim3A_4 : i32 to vector<16xi32>
    %broadcast_in_dim3A_6 = arith.constant 30000 : i32
    %broadcast_in_dim3A_7 = vector.broadcast %broadcast_in_dim3A_6 : i32 to vector<16xi32>
    %broadcast_in_dim3A_8 = arith.constant 1.000000e+00 : f32
    %broadcast_in_dim3A_9 = vector.broadcast %broadcast_in_dim3A_8 : f32 to vector<16xf32>
    "tpu.region"() ({
      %run_scoped3A = tpu.sem_alloc : memref<!tpu.dma_semaphore, #tpu.memory_space<semaphore_mem>>
      %dma_start3A_36 = arith.constant 0 : i32
      %dma_start3A_37 = tpu.memref_slice %arg2[%add3A, %dma_start3A_36] : memref<32x40000xf32, #tpu.memory_space<hbm>> -> memref<1x40000xf32, #tpu.memory_space<hbm>>
      %dma_start3A_38 = tpu.memref_squeeze %dma_start3A_37 : memref<1x40000xf32, #tpu.memory_space<hbm>> -> memref<40000xf32, #tpu.memory_space<hbm>>
      %dma_start3A_39 = arith.constant 0 : i32
      %dma_start3A_40 = tpu.memref_slice %arg2[%add3A, %dma_start3A_39] : memref<32x40000xf32, #tpu.memory_space<hbm>> -> memref<1x40000xf32, #tpu.memory_space<hbm>>
      %dma_start3A_41 = tpu.memref_squeeze %dma_start3A_40 : memref<1x40000xf32, #tpu.memory_space<hbm>> -> memref<40000xf32, #tpu.memory_space<hbm>>
      tpu.enqueue_dma source(%dma_start3A_41 : memref<40000xf32, #tpu.memory_space<hbm>>) target(%arg8 : memref<40000xf32, #tpu.memory_space<vmem>>) target_semaphore(%run_scoped3A : memref<!tpu.dma_semaphore, #tpu.memory_space<semaphore_mem>>)
      %dma_wait3A = arith.constant 0 : i32
      %dma_wait3A_42 = tpu.memref_slice %arg2[%add3A, %dma_wait3A] : memref<32x40000xf32, #tpu.memory_space<hbm>> -> memref<1x40000xf32, #tpu.memory_space<hbm>>
      %dma_wait3A_43 = tpu.memref_squeeze %dma_wait3A_42 : memref<1x40000xf32, #tpu.memory_space<hbm>> -> memref<40000xf32, #tpu.memory_space<hbm>>
      %dma_wait3A_44 = arith.constant 0 : i32
      %dma_wait3A_45 = tpu.memref_slice %arg2[%add3A, %dma_wait3A_44] : memref<32x40000xf32, #tpu.memory_space<hbm>> -> memref<1x40000xf32, #tpu.memory_space<hbm>>
      %dma_wait3A_46 = tpu.memref_squeeze %dma_wait3A_45 : memref<1x40000xf32, #tpu.memory_space<hbm>> -> memref<40000xf32, #tpu.memory_space<hbm>>
      tpu.wait_dma2 semaphore(%run_scoped3A : memref<!tpu.dma_semaphore, #tpu.memory_space<semaphore_mem>>) src(%dma_wait3A_46 : memref<40000xf32, #tpu.memory_space<hbm>>) dst(%arg8 : memref<40000xf32, #tpu.memory_space<vmem>>)
      tpu.yield
    }) : () -> ()
    "tpu.region"() ({
      %run_scoped3A = tpu.sem_alloc : memref<!tpu.dma_semaphore, #tpu.memory_space<semaphore_mem>>
      tpu.enqueue_dma source(%arg5 : memref<40000xf32, #tpu.memory_space<hbm>>) target(%arg9 : memref<40000xf32, #tpu.memory_space<vmem>>) target_semaphore(%run_scoped3A : memref<!tpu.dma_semaphore, #tpu.memory_space<semaphore_mem>>)
      tpu.wait_dma2 semaphore(%run_scoped3A : memref<!tpu.dma_semaphore, #tpu.memory_space<semaphore_mem>>) src(%arg5 : memref<40000xf32, #tpu.memory_space<hbm>>) dst(%arg9 : memref<40000xf32, #tpu.memory_space<vmem>>)
      tpu.yield
    }) : () -> ()
    "tpu.region"() ({
      %run_scoped3A = tpu.sem_alloc : memref<!tpu.dma_semaphore, #tpu.memory_space<semaphore_mem>>
      %dma_start3A_36 = arith.constant 0 : i32
      %dma_start3A_37 = tpu.memref_slice %arg5[%dma_start3A_36] : memref<40000xf32, #tpu.memory_space<hbm>> -> memref<10000xf32, #tpu.memory_space<hbm>>
      %dma_start3A_38 = arith.constant 0 : i32
      %dma_start3A_39 = tpu.memref_slice %arg5[%dma_start3A_38] : memref<40000xf32, #tpu.memory_space<hbm>> -> memref<10000xf32, #tpu.memory_space<hbm>>
      tpu.enqueue_dma source(%dma_start3A_39 : memref<10000xf32, #tpu.memory_space<hbm>>) target(%arg10 : memref<10000xf32, #tpu.memory_space<vmem>>) target_semaphore(%run_scoped3A : memref<!tpu.dma_semaphore, #tpu.memory_space<semaphore_mem>>)
      %dma_wait3A = arith.constant 0 : i32
      %dma_wait3A_40 = tpu.memref_slice %arg5[%dma_wait3A] : memref<40000xf32, #tpu.memory_space<hbm>> -> memref<10000xf32, #tpu.memory_space<hbm>>
      %dma_wait3A_41 = arith.constant 0 : i32
      %dma_wait3A_42 = tpu.memref_slice %arg5[%dma_wait3A_41] : memref<40000xf32, #tpu.memory_space<hbm>> -> memref<10000xf32, #tpu.memory_space<hbm>>
      tpu.wait_dma2 semaphore(%run_scoped3A : memref<!tpu.dma_semaphore, #tpu.memory_space<semaphore_mem>>) src(%dma_wait3A_42 : memref<10000xf32, #tpu.memory_space<hbm>>) dst(%arg10 : memref<10000xf32, #tpu.memory_space<vmem>>)
      tpu.yield
    }) : () -> ()
    %dma_start3A = arith.constant 0 : i32
    %dma_start3A_10 = tpu.memref_slice %arg3[%dma_start3A] : memref<320000xi32, #tpu.memory_space<hbm>> -> memref<2000xi32, #tpu.memory_space<hbm>>
    %dma_start3A_11 = arith.constant 0 : i32
    %dma_start3A_12 = tpu.memref_slice %arg3[%dma_start3A_11] : memref<320000xi32, #tpu.memory_space<hbm>> -> memref<2000xi32, #tpu.memory_space<hbm>>
    tpu.enqueue_dma source(%dma_start3A_12 : memref<2000xi32, #tpu.memory_space<hbm>>) target(%arg11 : memref<2000xi32, #tpu.memory_space<vmem>>) target_semaphore(%arg15 : memref<!tpu.dma_semaphore, #tpu.memory_space<semaphore_mem>>)
    %dma_start3A_13 = arith.constant 0 : i32
    %dma_start3A_14 = tpu.memref_slice %arg4[%dma_start3A_13] : memref<320000xi32, #tpu.memory_space<hbm>> -> memref<2000xi32, #tpu.memory_space<hbm>>
    %dma_start3A_15 = arith.constant 0 : i32
    %dma_start3A_16 = tpu.memref_slice %arg4[%dma_start3A_15] : memref<320000xi32, #tpu.memory_space<hbm>> -> memref<2000xi32, #tpu.memory_space<hbm>>
    tpu.enqueue_dma source(%dma_start3A_16 : memref<2000xi32, #tpu.memory_space<hbm>>) target(%arg13 : memref<2000xi32, #tpu.memory_space<vmem>>) target_semaphore(%arg17 : memref<!tpu.dma_semaphore, #tpu.memory_space<semaphore_mem>>)
    %dma_start3A_17 = arith.constant 2000 : i32
    %dma_start3A_18 = tpu.memref_slice %arg3[%dma_start3A_17] : memref<320000xi32, #tpu.memory_space<hbm>> -> memref<2000xi32, #tpu.memory_space<hbm>>
    %dma_start3A_19 = arith.constant 2000 : i32
    %dma_start3A_20 = tpu.memref_slice %arg3[%dma_start3A_19] : memref<320000xi32, #tpu.memory_space<hbm>> -> memref<2000xi32, #tpu.memory_space<hbm>>
    tpu.enqueue_dma source(%dma_start3A_20 : memref<2000xi32, #tpu.memory_space<hbm>>) target(%arg12 : memref<2000xi32, #tpu.memory_space<vmem>>) target_semaphore(%arg16 : memref<!tpu.dma_semaphore, #tpu.memory_space<semaphore_mem>>)
    %dma_start3A_21 = arith.constant 2000 : i32
    %dma_start3A_22 = tpu.memref_slice %arg4[%dma_start3A_21] : memref<320000xi32, #tpu.memory_space<hbm>> -> memref<2000xi32, #tpu.memory_space<hbm>>
    %dma_start3A_23 = arith.constant 2000 : i32
    %dma_start3A_24 = tpu.memref_slice %arg4[%dma_start3A_23] : memref<320000xi32, #tpu.memory_space<hbm>> -> memref<2000xi32, #tpu.memory_space<hbm>>
    tpu.enqueue_dma source(%dma_start3A_24 : memref<2000xi32, #tpu.memory_space<hbm>>) target(%arg14 : memref<2000xi32, #tpu.memory_space<vmem>>) target_semaphore(%arg18 : memref<!tpu.dma_semaphore, #tpu.memory_space<semaphore_mem>>)
    %scan3A = arith.constant 0 : i32
    %scan3A_25 = arith.constant 0 : i32
    %scan3A_26 = arith.constant 80 : i32
    %scan3A_27 = arith.addi %scan3A_25, %scan3A_26 : i32
    %scan3A_28 = arith.constant 1 : i32
    scf.for %scan3A_36 = %scan3A_25 to %scan3A_27 step %scan3A_28  : i32 {
      %mul3A_37 = arith.constant 2 : i32
      %mul3A_38 = arith.muli %scan3A_36, %mul3A_37 : i32
      %add3A_39 = arith.constant 0 : i32
      %add3A_40 = arith.addi %mul3A_38, %add3A_39 : i32
      %mul3A_41 = arith.constant 2000 : i32
      %mul3A_42 = arith.muli %add3A_40, %mul3A_41 : i32
      %dma_wait3A = tpu.memref_slice %arg3[%mul3A_42] : memref<320000xi32, #tpu.memory_space<hbm>> -> memref<2000xi32, #tpu.memory_space<hbm>>
      %dma_wait3A_43 = tpu.memref_slice %arg3[%mul3A_42] : memref<320000xi32, #tpu.memory_space<hbm>> -> memref<2000xi32, #tpu.memory_space<hbm>>
      tpu.wait_dma2 semaphore(%arg15 : memref<!tpu.dma_semaphore, #tpu.memory_space<semaphore_mem>>) src(%dma_wait3A_43 : memref<2000xi32, #tpu.memory_space<hbm>>) dst(%arg11 : memref<2000xi32, #tpu.memory_space<vmem>>)
      %dma_wait3A_44 = tpu.memref_slice %arg4[%mul3A_42] : memref<320000xi32, #tpu.memory_space<hbm>> -> memref<2000xi32, #tpu.memory_space<hbm>>
      %dma_wait3A_45 = tpu.memref_slice %arg4[%mul3A_42] : memref<320000xi32, #tpu.memory_space<hbm>> -> memref<2000xi32, #tpu.memory_space<hbm>>
      tpu.wait_dma2 semaphore(%arg17 : memref<!tpu.dma_semaphore, #tpu.memory_space<semaphore_mem>>) src(%dma_wait3A_45 : memref<2000xi32, #tpu.memory_space<hbm>>) dst(%arg13 : memref<2000xi32, #tpu.memory_space<vmem>>)
      %parallel_loop3A = arith.constant 0 : i32
      %parallel_loop3A_46 = arith.constant 125 : i32
      %parallel_loop3A_47 = arith.constant 1 : i32
      scf.for %parallel_loop3A_72 = %parallel_loop3A to %parallel_loop3A_46 step %parallel_loop3A_47  : i32 {
        %parallel_loop3A_73 = arith.constant 16 : i32
        %parallel_loop3A_74 = arith.muli %parallel_loop3A_72, %parallel_loop3A_73 : i32
        %parallel_loop3A_75 = arith.index_cast %parallel_loop3A_74 : i32 to index
        %parallel_loop3A_76 = tpu.vector_load %arg11[%parallel_loop3A_75] {strides = array<i32>} : memref<2000xi32, #tpu.memory_space<vmem>>, vector<16xi32>,
        %parallel_loop3A_77 = arith.constant 16 : i32
        %parallel_loop3A_78 = arith.muli %parallel_loop3A_72, %parallel_loop3A_77 : i32
        %parallel_loop3A_79 = arith.index_cast %parallel_loop3A_78 : i32 to index
        %parallel_loop3A_80 = tpu.vector_load %arg13[%parallel_loop3A_79] {strides = array<i32>} : memref<2000xi32, #tpu.memory_space<vmem>>, vector<16xi32>,
        %parallel_loop3A_81 = arith.addi %parallel_loop3A_76, %broadcast_in_dim3A_1 : vector<16xi32>
        %parallel_loop3A_82 = tpu.vector_load_idx %arg8[%parallel_loop3A_81] : memref<40000xf32, #tpu.memory_space<vmem>>[vector<16xi32>], vector<16xf32>,
        %parallel_loop3A_83 = arith.addi %parallel_loop3A_80, %broadcast_in_dim3A_1 : vector<16xi32>
        tpu.vector_store_idx %arg9[%parallel_loop3A_83], %parallel_loop3A_82 {add = true} : memref<40000xf32, #tpu.memory_space<vmem>>[vector<16xi32>], vector<16xf32>,
        %parallel_loop3A_84 = arith.addi %parallel_loop3A_76, %broadcast_in_dim3A_3 : vector<16xi32>
        %parallel_loop3A_85 = tpu.vector_load_idx %arg8[%parallel_loop3A_84] : memref<40000xf32, #tpu.memory_space<vmem>>[vector<16xi32>], vector<16xf32>,
        %parallel_loop3A_86 = arith.addi %parallel_loop3A_80, %broadcast_in_dim3A_3 : vector<16xi32>
        tpu.vector_store_idx %arg9[%parallel_loop3A_86], %parallel_loop3A_85 {add = true} : memref<40000xf32, #tpu.memory_space<vmem>>[vector<16xi32>], vector<16xf32>,
        %parallel_loop3A_87 = arith.addi %parallel_loop3A_76, %broadcast_in_dim3A_5 : vector<16xi32>
        %parallel_loop3A_88 = tpu.vector_load_idx %arg8[%parallel_loop3A_87] : memref<40000xf32, #tpu.memory_space<vmem>>[vector<16xi32>], vector<16xf32>,
        %parallel_loop3A_89 = arith.addi %parallel_loop3A_80, %broadcast_in_dim3A_5 : vector<16xi32>
        tpu.vector_store_idx %arg9[%parallel_loop3A_89], %parallel_loop3A_88 {add = true} : memref<40000xf32, #tpu.memory_space<vmem>>[vector<16xi32>], vector<16xf32>,
        %parallel_loop3A_90 = arith.addi %parallel_loop3A_76, %broadcast_in_dim3A_7 : vector<16xi32>
        %parallel_loop3A_91 = tpu.vector_load_idx %arg8[%parallel_loop3A_90] : memref<40000xf32, #tpu.memory_space<vmem>>[vector<16xi32>], vector<16xf32>,
        %parallel_loop3A_92 = arith.addi %parallel_loop3A_80, %broadcast_in_dim3A_7 : vector<16xi32>
        tpu.vector_store_idx %arg9[%parallel_loop3A_92], %parallel_loop3A_91 {add = true} : memref<40000xf32, #tpu.memory_space<vmem>>[vector<16xi32>], vector<16xf32>,
      } {sc.loop_unroll_factor = 5 : i64, sc.parallel_access}
      %add3A_48 = arith.constant 2 : i32
      %add3A_49 = arith.addi %add3A_40, %add3A_48 : i32
      %lt3A = arith.constant 160 : i32
      %lt3A_50 = arith.cmpi slt, %add3A_49, %lt3A : i32
      %convert_element_type3A = arith.extui %lt3A_50 : i1 to i32
      %cond3A = arith.constant 0 : i32
      %cond3A_51 = arith.cmpi ne, %convert_element_type3A, %cond3A : i32
      scf.if %cond3A_51 {
        %add3A_72 = arith.constant 2 : i32
        %add3A_73 = arith.addi %add3A_40, %add3A_72 : i32
        %mul3A_74 = arith.constant 2000 : i32
        %mul3A_75 = arith.muli %add3A_73, %mul3A_74 : i32
        %dma_start3A_76 = tpu.memref_slice %arg3[%mul3A_75] : memref<320000xi32, #tpu.memory_space<hbm>> -> memref<2000xi32, #tpu.memory_space<hbm>>
        %dma_start3A_77 = tpu.memref_slice %arg3[%mul3A_75] : memref<320000xi32, #tpu.memory_space<hbm>> -> memref<2000xi32, #tpu.memory_space<hbm>>
        tpu.enqueue_dma source(%dma_start3A_77 : memref<2000xi32, #tpu.memory_space<hbm>>) target(%arg11 : memref<2000xi32, #tpu.memory_space<vmem>>) target_semaphore(%arg15 : memref<!tpu.dma_semaphore, #tpu.memory_space<semaphore_mem>>)
        %dma_start3A_78 = tpu.memref_slice %arg4[%mul3A_75] : memref<320000xi32, #tpu.memory_space<hbm>> -> memref<2000xi32, #tpu.memory_space<hbm>>
        %dma_start3A_79 = tpu.memref_slice %arg4[%mul3A_75] : memref<320000xi32, #tpu.memory_space<hbm>> -> memref<2000xi32, #tpu.memory_space<hbm>>
        tpu.enqueue_dma source(%dma_start3A_79 : memref<2000xi32, #tpu.memory_space<hbm>>) target(%arg13 : memref<2000xi32, #tpu.memory_space<vmem>>) target_semaphore(%arg17 : memref<!tpu.dma_semaphore, #tpu.memory_space<semaphore_mem>>)
      } else {
      }
      %mul3A_52 = arith.constant 2 : i32
      %mul3A_53 = arith.muli %scan3A_36, %mul3A_52 : i32
      %add3A_54 = arith.constant 1 : i32
      %add3A_55 = arith.addi %mul3A_53, %add3A_54 : i32
      %mul3A_56 = arith.constant 2000 : i32
      %mul3A_57 = arith.muli %add3A_55, %mul3A_56 : i32
      %dma_wait3A_58 = tpu.memref_slice %arg3[%mul3A_57] : memref<320000xi32, #tpu.memory_space<hbm>> -> memref<2000xi32, #tpu.memory_space<hbm>>
      %dma_wait3A_59 = tpu.memref_slice %arg3[%mul3A_57] : memref<320000xi32, #tpu.memory_space<hbm>> -> memref<2000xi32, #tpu.memory_space<hbm>>
      tpu.wait_dma2 semaphore(%arg16 : memref<!tpu.dma_semaphore, #tpu.memory_space<semaphore_mem>>) src(%dma_wait3A_59 : memref<2000xi32, #tpu.memory_space<hbm>>) dst(%arg12 : memref<2000xi32, #tpu.memory_space<vmem>>)
      %dma_wait3A_60 = tpu.memref_slice %arg4[%mul3A_57] : memref<320000xi32, #tpu.memory_space<hbm>> -> memref<2000xi32, #tpu.memory_space<hbm>>
      %dma_wait3A_61 = tpu.memref_slice %arg4[%mul3A_57] : memref<320000xi32, #tpu.memory_space<hbm>> -> memref<2000xi32, #tpu.memory_space<hbm>>
      tpu.wait_dma2 semaphore(%arg18 : memref<!tpu.dma_semaphore, #tpu.memory_space<semaphore_mem>>) src(%dma_wait3A_61 : memref<2000xi32, #tpu.memory_space<hbm>>) dst(%arg14 : memref<2000xi32, #tpu.memory_space<vmem>>)
      %parallel_loop3A_62 = arith.constant 0 : i32
      %parallel_loop3A_63 = arith.constant 125 : i32
      %parallel_loop3A_64 = arith.constant 1 : i32
      scf.for %parallel_loop3A_72 = %parallel_loop3A_62 to %parallel_loop3A_63 step %parallel_loop3A_64  : i32 {
        %parallel_loop3A_73 = arith.constant 16 : i32
        %parallel_loop3A_74 = arith.muli %parallel_loop3A_72, %parallel_loop3A_73 : i32
        %parallel_loop3A_75 = arith.index_cast %parallel_loop3A_74 : i32 to index
        %parallel_loop3A_76 = tpu.vector_load %arg12[%parallel_loop3A_75] {strides = array<i32>} : memref<2000xi32, #tpu.memory_space<vmem>>, vector<16xi32>,
        %parallel_loop3A_77 = arith.constant 16 : i32
        %parallel_loop3A_78 = arith.muli %parallel_loop3A_72, %parallel_loop3A_77 : i32
        %parallel_loop3A_79 = arith.index_cast %parallel_loop3A_78 : i32 to index
        %parallel_loop3A_80 = tpu.vector_load %arg14[%parallel_loop3A_79] {strides = array<i32>} : memref<2000xi32, #tpu.memory_space<vmem>>, vector<16xi32>,
        %parallel_loop3A_81 = arith.addi %parallel_loop3A_76, %broadcast_in_dim3A_1 : vector<16xi32>
        %parallel_loop3A_82 = tpu.vector_load_idx %arg8[%parallel_loop3A_81] : memref<40000xf32, #tpu.memory_space<vmem>>[vector<16xi32>], vector<16xf32>,
        %parallel_loop3A_83 = arith.addi %parallel_loop3A_80, %broadcast_in_dim3A_1 : vector<16xi32>
        tpu.vector_store_idx %arg9[%parallel_loop3A_83], %parallel_loop3A_82 {add = true} : memref<40000xf32, #tpu.memory_space<vmem>>[vector<16xi32>], vector<16xf32>,
        %parallel_loop3A_84 = arith.addi %parallel_loop3A_76, %broadcast_in_dim3A_3 : vector<16xi32>
        %parallel_loop3A_85 = tpu.vector_load_idx %arg8[%parallel_loop3A_84] : memref<40000xf32, #tpu.memory_space<vmem>>[vector<16xi32>], vector<16xf32>,
        %parallel_loop3A_86 = arith.addi %parallel_loop3A_80, %broadcast_in_dim3A_3 : vector<16xi32>
        tpu.vector_store_idx %arg9[%parallel_loop3A_86], %parallel_loop3A_85 {add = true} : memref<40000xf32, #tpu.memory_space<vmem>>[vector<16xi32>], vector<16xf32>,
        %parallel_loop3A_87 = arith.addi %parallel_loop3A_76, %broadcast_in_dim3A_5 : vector<16xi32>
        %parallel_loop3A_88 = tpu.vector_load_idx %arg8[%parallel_loop3A_87] : memref<40000xf32, #tpu.memory_space<vmem>>[vector<16xi32>], vector<16xf32>,
        %parallel_loop3A_89 = arith.addi %parallel_loop3A_80, %broadcast_in_dim3A_5 : vector<16xi32>
        tpu.vector_store_idx %arg9[%parallel_loop3A_89], %parallel_loop3A_88 {add = true} : memref<40000xf32, #tpu.memory_space<vmem>>[vector<16xi32>], vector<16xf32>,
        %parallel_loop3A_90 = arith.addi %parallel_loop3A_76, %broadcast_in_dim3A_7 : vector<16xi32>
        %parallel_loop3A_91 = tpu.vector_load_idx %arg8[%parallel_loop3A_90] : memref<40000xf32, #tpu.memory_space<vmem>>[vector<16xi32>], vector<16xf32>,
        %parallel_loop3A_92 = arith.addi %parallel_loop3A_80, %broadcast_in_dim3A_7 : vector<16xi32>
        tpu.vector_store_idx %arg9[%parallel_loop3A_92], %parallel_loop3A_91 {add = true} : memref<40000xf32, #tpu.memory_space<vmem>>[vector<16xi32>], vector<16xf32>,
      } {sc.loop_unroll_factor = 5 : i64, sc.parallel_access}
      %add3A_65 = arith.constant 2 : i32
      %add3A_66 = arith.addi %add3A_55, %add3A_65 : i32
      %lt3A_67 = arith.constant 160 : i32
      %lt3A_68 = arith.cmpi slt, %add3A_66, %lt3A_67 : i32
      %convert_element_type3A_69 = arith.extui %lt3A_68 : i1 to i32
      %cond3A_70 = arith.constant 0 : i32
      %cond3A_71 = arith.cmpi ne, %convert_element_type3A_69, %cond3A_70 : i32
      scf.if %cond3A_71 {
        %add3A_72 = arith.constant 2 : i32
        %add3A_73 = arith.addi %add3A_55, %add3A_72 : i32
        %mul3A_74 = arith.constant 2000 : i32
        %mul3A_75 = arith.muli %add3A_73, %mul3A_74 : i32
        %dma_start3A_76 = tpu.memref_slice %arg3[%mul3A_75] : memref<320000xi32, #tpu.memory_space<hbm>> -> memref<2000xi32, #tpu.memory_space<hbm>>
        %dma_start3A_77 = tpu.memref_slice %arg3[%mul3A_75] : memref<320000xi32, #tpu.memory_space<hbm>> -> memref<2000xi32, #tpu.memory_space<hbm>>
        tpu.enqueue_dma source(%dma_start3A_77 : memref<2000xi32, #tpu.memory_space<hbm>>) target(%arg12 : memref<2000xi32, #tpu.memory_space<vmem>>) target_semaphore(%arg16 : memref<!tpu.dma_semaphore, #tpu.memory_space<semaphore_mem>>)
        %dma_start3A_78 = tpu.memref_slice %arg4[%mul3A_75] : memref<320000xi32, #tpu.memory_space<hbm>> -> memref<2000xi32, #tpu.memory_space<hbm>>
        %dma_start3A_79 = tpu.memref_slice %arg4[%mul3A_75] : memref<320000xi32, #tpu.memory_space<hbm>> -> memref<2000xi32, #tpu.memory_space<hbm>>
        tpu.enqueue_dma source(%dma_start3A_79 : memref<2000xi32, #tpu.memory_space<hbm>>) target(%arg14 : memref<2000xi32, #tpu.memory_space<vmem>>) target_semaphore(%arg18 : memref<!tpu.dma_semaphore, #tpu.memory_space<semaphore_mem>>)
      } else {
      }
    }
    %scan3A_29 = arith.constant 80 : i32
    %scan3A_30 = arith.constant 0 : i32
    %scan3A_31 = arith.constant 0 : i32
    %scan3A_32 = arith.constant 5 : i32
    %scan3A_33 = arith.addi %scan3A_31, %scan3A_32 : i32
    %scan3A_34 = arith.constant 1 : i32
    scf.for %scan3A_36 = %scan3A_31 to %scan3A_33 step %scan3A_34  : i32 {
      %mul3A_37 = arith.constant 10000 : i32
      %mul3A_38 = arith.muli %add3A, %mul3A_37 : i32
      %mul3A_39 = arith.constant 2000 : i32
      %mul3A_40 = arith.muli %scan3A_36, %mul3A_39 : i32
      %add3A_41 = arith.addi %mul3A_38, %mul3A_40 : i32
      "tpu.region"() ({
        %run_scoped3A = tpu.sem_alloc : memref<!tpu.dma_semaphore, #tpu.memory_space<semaphore_mem>>
        %dma_start3A_44 = arith.constant 0 : i32
        %dma_start3A_45 = tpu.memref_slice %arg13[%dma_start3A_44] : memref<2000xi32, #tpu.memory_space<vmem>> -> memref<2000xi32, #tpu.memory_space<vmem>>
        %dma_start3A_46 = tpu.memref_slice %arg4[%add3A_41] : memref<320000xi32, #tpu.memory_space<hbm>> -> memref<2000xi32, #tpu.memory_space<hbm>>
        %dma_start3A_47 = arith.constant 0 : i32
        %dma_start3A_48 = tpu.memref_slice %arg13[%dma_start3A_47] : memref<2000xi32, #tpu.memory_space<vmem>> -> memref<2000xi32, #tpu.memory_space<vmem>>
        %dma_start3A_49 = tpu.memref_slice %arg4[%add3A_41] : memref<320000xi32, #tpu.memory_space<hbm>> -> memref<2000xi32, #tpu.memory_space<hbm>>
        tpu.enqueue_dma source(%dma_start3A_49 : memref<2000xi32, #tpu.memory_space<hbm>>) target(%dma_start3A_48 : memref<2000xi32, #tpu.memory_space<vmem>>) target_semaphore(%run_scoped3A : memref<!tpu.dma_semaphore, #tpu.memory_space<semaphore_mem>>)
        %dma_wait3A = arith.constant 0 : i32
        %dma_wait3A_50 = tpu.memref_slice %arg13[%dma_wait3A] : memref<2000xi32, #tpu.memory_space<vmem>> -> memref<2000xi32, #tpu.memory_space<vmem>>
        %dma_wait3A_51 = tpu.memref_slice %arg4[%add3A_41] : memref<320000xi32, #tpu.memory_space<hbm>> -> memref<2000xi32, #tpu.memory_space<hbm>>
        %dma_wait3A_52 = arith.constant 0 : i32
        %dma_wait3A_53 = tpu.memref_slice %arg13[%dma_wait3A_52] : memref<2000xi32, #tpu.memory_space<vmem>> -> memref<2000xi32, #tpu.memory_space<vmem>>
        %dma_wait3A_54 = tpu.memref_slice %arg4[%add3A_41] : memref<320000xi32, #tpu.memory_space<hbm>> -> memref<2000xi32, #tpu.memory_space<hbm>>
        tpu.wait_dma2 semaphore(%run_scoped3A : memref<!tpu.dma_semaphore, #tpu.memory_space<semaphore_mem>>) src(%dma_wait3A_54 : memref<2000xi32, #tpu.memory_space<hbm>>) dst(%dma_wait3A_53 : memref<2000xi32, #tpu.memory_space<vmem>>)
        tpu.yield
      }) : () -> ()
      %parallel_loop3A = arith.constant 0 : i32
      %parallel_loop3A_42 = arith.constant 125 : i32
      %parallel_loop3A_43 = arith.constant 1 : i32
      scf.for %parallel_loop3A_44 = %parallel_loop3A to %parallel_loop3A_42 step %parallel_loop3A_43  : i32 {
        %parallel_loop3A_45 = arith.constant 16 : i32
        %parallel_loop3A_46 = arith.muli %parallel_loop3A_44, %parallel_loop3A_45 : i32
        %parallel_loop3A_47 = arith.index_cast %parallel_loop3A_46 : i32 to index
        %parallel_loop3A_48 = tpu.vector_load %arg13[%parallel_loop3A_47] {strides = array<i32>} : memref<2000xi32, #tpu.memory_space<vmem>>, vector<16xi32>,
        tpu.vector_store_idx %arg10[%parallel_loop3A_48], %broadcast_in_dim3A_9 {add = true} : memref<10000xf32, #tpu.memory_space<vmem>>[vector<16xi32>], vector<16xf32>,
      } {sc.loop_unroll_factor = 5 : i64, sc.parallel_access}
    }
    %scan3A_35 = arith.constant 5 : i32
    "tpu.region"() ({
      %run_scoped3A = tpu.sem_alloc : memref<!tpu.dma_semaphore, #tpu.memory_space<semaphore_mem>>
      %dma_start3A_36 = arith.constant 0 : i32
      %dma_start3A_37 = tpu.memref_slice %arg6[%add3A, %dma_start3A_36] : memref<32x40000xf32, #tpu.memory_space<hbm>> -> memref<1x40000xf32, #tpu.memory_space<hbm>>
      %dma_start3A_38 = tpu.memref_squeeze %dma_start3A_37 : memref<1x40000xf32, #tpu.memory_space<hbm>> -> memref<40000xf32, #tpu.memory_space<hbm>>
      %dma_start3A_39 = arith.constant 0 : i32
      %dma_start3A_40 = tpu.memref_slice %arg6[%add3A, %dma_start3A_39] : memref<32x40000xf32, #tpu.memory_space<hbm>> -> memref<1x40000xf32, #tpu.memory_space<hbm>>
      %dma_start3A_41 = tpu.memref_squeeze %dma_start3A_40 : memref<1x40000xf32, #tpu.memory_space<hbm>> -> memref<40000xf32, #tpu.memory_space<hbm>>
      tpu.enqueue_dma source(%arg9 : memref<40000xf32, #tpu.memory_space<vmem>>) target(%dma_start3A_41 : memref<40000xf32, #tpu.memory_space<hbm>>) target_semaphore(%run_scoped3A : memref<!tpu.dma_semaphore, #tpu.memory_space<semaphore_mem>>)
      %dma_wait3A = arith.constant 0 : i32
      %dma_wait3A_42 = tpu.memref_slice %arg6[%add3A, %dma_wait3A] : memref<32x40000xf32, #tpu.memory_space<hbm>> -> memref<1x40000xf32, #tpu.memory_space<hbm>>
      %dma_wait3A_43 = tpu.memref_squeeze %dma_wait3A_42 : memref<1x40000xf32, #tpu.memory_space<hbm>> -> memref<40000xf32, #tpu.memory_space<hbm>>
      %dma_wait3A_44 = arith.constant 0 : i32
      %dma_wait3A_45 = tpu.memref_slice %arg6[%add3A, %dma_wait3A_44] : memref<32x40000xf32, #tpu.memory_space<hbm>> -> memref<1x40000xf32, #tpu.memory_space<hbm>>
      %dma_wait3A_46 = tpu.memref_squeeze %dma_wait3A_45 : memref<1x40000xf32, #tpu.memory_space<hbm>> -> memref<40000xf32, #tpu.memory_space<hbm>>
      tpu.wait_dma2 semaphore(%run_scoped3A : memref<!tpu.dma_semaphore, #tpu.memory_space<semaphore_mem>>) src(%arg9 : memref<40000xf32, #tpu.memory_space<vmem>>) dst(%dma_wait3A_46 : memref<40000xf32, #tpu.memory_space<hbm>>)
      tpu.yield
    }) : () -> ()
    "tpu.region"() ({
      %run_scoped3A = tpu.sem_alloc : memref<!tpu.dma_semaphore, #tpu.memory_space<semaphore_mem>>
      %dma_start3A_36 = arith.constant 0 : i32
      %dma_start3A_37 = tpu.memref_slice %arg7[%add3A, %dma_start3A_36] : memref<32x10000xf32, #tpu.memory_space<hbm>> -> memref<1x10000xf32, #tpu.memory_space<hbm>>
      %dma_start3A_38 = tpu.memref_squeeze %dma_start3A_37 : memref<1x10000xf32, #tpu.memory_space<hbm>> -> memref<10000xf32, #tpu.memory_space<hbm>>
      %dma_start3A_39 = arith.constant 0 : i32
      %dma_start3A_40 = tpu.memref_slice %arg7[%add3A, %dma_start3A_39] : memref<32x10000xf32, #tpu.memory_space<hbm>> -> memref<1x10000xf32, #tpu.memory_space<hbm>>
      %dma_start3A_41 = tpu.memref_squeeze %dma_start3A_40 : memref<1x10000xf32, #tpu.memory_space<hbm>> -> memref<10000xf32, #tpu.memory_space<hbm>>
      tpu.enqueue_dma source(%arg10 : memref<10000xf32, #tpu.memory_space<vmem>>) target(%dma_start3A_41 : memref<10000xf32, #tpu.memory_space<hbm>>) target_semaphore(%run_scoped3A : memref<!tpu.dma_semaphore, #tpu.memory_space<semaphore_mem>>)
      %dma_wait3A = arith.constant 0 : i32
      %dma_wait3A_42 = tpu.memref_slice %arg7[%add3A, %dma_wait3A] : memref<32x10000xf32, #tpu.memory_space<hbm>> -> memref<1x10000xf32, #tpu.memory_space<hbm>>
      %dma_wait3A_43 = tpu.memref_squeeze %dma_wait3A_42 : memref<1x10000xf32, #tpu.memory_space<hbm>> -> memref<10000xf32, #tpu.memory_space<hbm>>
      %dma_wait3A_44 = arith.constant 0 : i32
      %dma_wait3A_45 = tpu.memref_slice %arg7[%add3A, %dma_wait3A_44] : memref<32x10000xf32, #tpu.memory_space<hbm>> -> memref<1x10000xf32, #tpu.memory_space<hbm>>
      %dma_wait3A_46 = tpu.memref_squeeze %dma_wait3A_45 : memref<1x10000xf32, #tpu.memory_space<hbm>> -> memref<10000xf32, #tpu.memory_space<hbm>>
      tpu.wait_dma2 semaphore(%run_scoped3A : memref<!tpu.dma_semaphore, #tpu.memory_space<semaphore_mem>>) src(%arg10 : memref<10000xf32, #tpu.memory_space<vmem>>) dst(%dma_wait3A_46 : memref<10000xf32, #tpu.memory_space<hbm>>)
      tpu.yield
    }) : () -> ()
    return
  }
}

module attributes {stable_mosaic.version = 14 : i64} {
  func.func @body(%arg0: memref<128x10000xf32, #tpu.memory_space<vmem>>, %arg1: memref<32x10000xf32, #tpu.memory_space<vmem>>, %arg2: memref<128x10000xf32, #tpu.memory_space<vmem>>, %arg3: memref<10000x128xf32, #tpu.memory_space<vmem>>) attributes {dimension_semantics = [], scalar_prefetch = 0 : i64, scratch_operands = 0 : i64, tpu.core_type = #tpu.core_type<tc>} {
    %get3A = arith.constant 0 : index
    %get3A_0 = arith.constant 0 : index
    %get3A_1 = vector.load %arg1[%get3A, %get3A_0] : memref<32x10000xf32, #tpu.memory_space<vmem>>, vector<32x10000xf32>
    %reduce_sum3A = arith.constant dense<0.000000e+00> : vector<10000xf32>
    %reduce_sum3A_2 = vector.multi_reduction <add>, %get3A_1, %reduce_sum3A [0] : vector<32x10000xf32> to vector<10000xf32>
    %get3A_3 = arith.constant 0 : index
    %get3A_4 = arith.constant 0 : index
    %get3A_5 = vector.load %arg0[%get3A_3, %get3A_4] : memref<128x10000xf32, #tpu.memory_space<vmem>>, vector<128x10000xf32>
    %broadcast_in_dim3A = vector.shape_cast %reduce_sum3A_2 : vector<10000xf32> to vector<1x10000xf32>
    %get3A_6 = arith.constant 0 : index
    %get3A_7 = arith.constant 0 : index
    %get3A_8 = vector.load %arg2[%get3A_6, %get3A_7] : memref<128x10000xf32, #tpu.memory_space<vmem>>, vector<128x10000xf32>
    %mul3A = vector.broadcast %broadcast_in_dim3A : vector<1x10000xf32> to vector<128x10000xf32>
    %mul3A_9 = arith.mulf %mul3A, %get3A_8 : vector<128x10000xf32>
    %add3A = arith.addf %get3A_5, %mul3A_9 : vector<128x10000xf32>
    %transpose3A = tpu.transpose %add3A, [1, 0] : vector<128x10000xf32> -> vector<10000x128xf32>
    %swap3A = arith.constant 0 : index
    %swap3A_10 = arith.constant 0 : index
    %swap3A_11 = vector.load %arg3[%swap3A, %swap3A_10] : memref<10000x128xf32, #tpu.memory_space<vmem>>, vector<10000x128xf32>
    tpu.vector_store %arg3[%swap3A, %swap3A_10], %transpose3A {strides = array<i32>} : memref<10000x128xf32, #tpu.memory_space<vmem>>, vector<10000x128xf32>,
    return
  }
}

</mosaic_0001>

<sc_bundles>
// kernel: kernel.4.cloned.1.call-start
scs
__scs_entry_jumppad:
0x0: {  	(pc) =	sbr.rel $0x88, $3  }
0x1: {  	(tag) =	ssettag $0x0;
	lr =	simm.s32 $0x1  }
0x2: {  	[smem:$0x3F9F] =	sst lr;
	_ =	strace $0xD0000000  }
0x3: {  	_ = 	snop  }
0x4: {  	_ = 	snop  }
0x5: {  	_ = 	snop  }
0x6: {  	_ = 	snop  }
0x7: {  	_ = 	snop  }
__scs_overlays_trampoline_lowered:
0x8: {  	[smem:$0x3FAE] =	sst s0  }
0x9: {  	[smem:$0x3FAF] =	sst s1  }
0xa: {  	[smem:$0x3FB0] =	sst s2  }
0xb: {  	[smem:$0x3FB1] =	sst s3  }
0xc: {  	[smem:$0x3FB2] =	sst s4  }
0xd: {  	[smem:$0x3FB3] =	sst s5  }
0xe: {  	[smem:$0x3FB4] =	sst s6  }
0xf: {  	[smem:$0x3FB5] =	sst s7  }
0x10: {  	[smem:$0x3FB6] =	sst s8  }
0x11: {  	[smem:$0x3FB7] =	sst s9;
	s0 =	simm.s32 @!p0 $0x0  }
0x12: {  	s1 =	sld [smem:$0x3F9D];
	s0 =	simm.s32 @p0 $0x1  }
0x13: {  	[smem:$0x3FB8] =	sst s0;
	s0 =	simm.s32 @!p1 $0x0  }
0x14: {  	s2 =	sld [smem:$0x3F9C];
	s0 =	simm.s32 @p1 $0x1  }
0x15: {  	[smem:$0x3FB9] =	sst s0;
	s0 =	simm.s32 @!p2 $0x0  }
0x16: {  	s3 =	sld [smem:$0x3FDB];
	s0 =	simm.s32 @p2 $0x1  }
0x17: {  	s4 =	simm.s32 $0x1BF5;
	[smem:$0x3FBB] =	sst s0  }
0x18: {  	s0 =	sld [smem:$0x3F9E];
	_ =	swait.ge [sflag:s4], $0x0  }
0x19: {  	s7 =	sld [smem:$0x3F9F]  }
0x1a: {  	s8 =	sadd.s32 $0xFFFFE003, lr  }
0x1b: {  	s9 =	sadd.s32 $0xFFFFFEF7, lr;
	s5 =	simm.s32 $0xFFFFFFFF;
	p2 =	slt.u32 s8, $0xFFFFF086  }
0x1c: {  	p1 =	slt.u32 s9, $0xF7A;
	s5 =	simm.s32 @!p2 $0x0  }
0x1d: {  	s5 =	simm.s32 @p1 $0x1;
	p0 =	seq.s32 s7, s2  }
0x1e: {  	s7 =	smul.u32 @!p0 $0xF7A, s2;
	p2 =	seq.s32 @!p0 s5, $0x0  }
0x1f: {  	s9 =	smul.u32 $0xF7A, s1;
	s8 =	simm.s32 @!p0 $0x1BF5;
	p2 =	por !p2, p0  }
0x20: {  	[sflag:s8] =	ssyncset.s32 @!p0 $0xFFFFF086;
	s6 =	sadd.s32 @!p0 s3, s7;
	s7 =	simm.s32 @!p0 $0x108  }
0x21: {  	s3 =	sadd.s32 s3, s9;
	s6 =	sadd.s32 @!p0 $0x88, s6;
	s7 =	simm.s32 @p2 $0x1082  }
0x22: {  	[simem:s7], [sflag:s8] =	dma.local @!p0 [hbm:s6], $0xF7A  }
0x23: {  	s9 =	sor.u32 $0xD0000000, s2;
	s6 =	simm.s32 $0x108;
	_ =	swait.ge @!p0 [sflag:s8], $0x0  }
0x24: {  	s3 =	sadd.s32 $0x88, s3;
	s6 =	simm.s32 @!p1 $0x1082;
	[sflag:s4] =	ssyncset.s32 $0xFFFFF086  }
0x25: {  	[simem:s6], [sflag:s4] =	dma.local [hbm:s3], $0xF7A  }
0x26: {  	[smem:$0x3F9F] =	sst s1;
	(tag) =	ssettag s2;
	_ =	strace s9  }
0x27: {  	s1 =	sld [smem:$0x3FAF]  }
0x28: {  	s2 =	sld [smem:$0x3FB0]  }
0x29: {  	s4 =	sld [smem:$0x3FB2]  }
0x2a: {  	p0 =	seq.s32 s5, $0x0;
	s5 =	sld [smem:$0x3FB3]  }
0x2b: {  	s6 =	sld [smem:$0x3FB4]  }
0x2c: {  	s7 =	sld [smem:$0x3FB5]  }
0x2d: {  	s3 =	simm.s32 $0x108;
	s8 =	sld [smem:$0x3FB6]  }
0x2e: {  	s3 =	simm.s32 @!p0 $0x1082;
	s9 =	sld [smem:$0x3FB7]  }
0x2f: {  	lr =	sadd.s32 s0, s3;
	s0 =	sld [smem:$0x3FAE]  }
0x30: {  	s3 =	sld [smem:$0x3FB1]  }
0x31: {  	[smem:$0x3FBA] =	sst s10  }
0x32: {  	s10 =	sld [smem:$0x3FB8];
	_ =	sdelay $0x3  }
0x33: {  	p0 =	seq.s32 s10, $0x1;
	s10 =	sld [smem:$0x3FBA];
	_ =	sdelay $0x3  }
0x34: {  	[smem:$0x3FBA] =	sst s10  }
0x35: {  	s10 =	sld [smem:$0x3FB9];
	_ =	sdelay $0x3  }
0x36: {  	p1 =	seq.s32 s10, $0x1;
	s10 =	sld [smem:$0x3FBA];
	_ =	sdelay $0x3  }
0x37: {  	[smem:$0x3FBA] =	sst s10  }
0x38: {  	s10 =	sld [smem:$0x3FBB]  }
0x39: {  	_ = 	snop;
	(pc) =	sbr.ind lr, $3  }
0x3a: {  	_ = 	snop  }
0x3b: {  	_ = 	snop  }
0x3c: {  	p2 =	seq.s32 s10, $0x1;
	s10 =	sld [smem:$0x3FBA]  }
0x3d: {  	_ =	shalt  }
0x3e: {  	_ =	shalt  }
0x3f: {  	_ =	shalt  }
0x40: {  	_ =	shalt  }
0x41: {  	_ =	shalt  }
0x42: {  	_ =	shalt  }
0x43: {  	_ =	shalt  }
0x44: {  	_ =	shalt  }
0x45: {  	_ =	shalt  }
0x46: {  	_ =	shalt  }
0x47: {  	_ =	shalt  }
0x48: {  	_ =	shalt  }
0x49: {  	_ =	shalt  }
0x4a: {  	_ =	shalt  }
0x4b: {  	_ =	shalt  }
0x4c: {  	_ =	shalt  }
0x4d: {  	_ =	shalt  }
0x4e: {  	_ =	shalt  }
0x4f: {  	_ =	shalt  }
0x50: {  	_ =	shalt  }
0x51: {  	_ =	shalt  }
0x52: {  	_ =	shalt  }
0x53: {  	_ =	shalt  }
0x54: {  	_ =	shalt  }
0x55: {  	_ =	shalt  }
0x56: {  	_ =	shalt  }
0x57: {  	_ =	shalt  }
0x58: {  	_ =	shalt  }
0x59: {  	_ =	shalt  }
0x5a: {  	_ =	shalt  }
0x5b: {  	_ =	shalt  }
0x5c: {  	_ =	shalt  }
0x5d: {  	_ =	shalt  }
0x5e: {  	_ =	shalt  }
0x5f: {  	_ =	shalt  }
0x60: {  	_ =	shalt  }
0x61: {  	_ =	shalt  }
0x62: {  	_ =	shalt  }
0x63: {  	_ =	shalt  }
0x64: {  	_ =	shalt  }
0x65: {  	_ =	shalt  }
0x66: {  	_ =	shalt  }
0x67: {  	_ =	shalt  }
0x68: {  	_ =	shalt  }
0x69: {  	_ =	shalt  }
0x6a: {  	_ =	shalt  }
0x6b: {  	_ =	shalt  }
0x6c: {  	_ =	shalt  }
0x6d: {  	_ =	shalt  }
0x6e: {  	_ =	shalt  }
0x6f: {  	_ =	shalt  }
0x70: {  	_ =	shalt  }
0x71: {  	_ =	shalt  }
0x72: {  	_ =	shalt  }
0x73: {  	_ =	shalt  }
0x74: {  	_ =	shalt  }
0x75: {  	_ =	shalt  }
0x76: {  	_ =	shalt  }
0x77: {  	_ =	shalt  }
0x78: {  	_ =	shalt  }
0x79: {  	_ =	shalt  }
0x7a: {  	_ =	shalt  }
0x7b: {  	_ =	shalt  }
0x7c: {  	_ =	shalt  }
0x7d: {  	_ =	shalt  }
0x7e: {  	_ =	shalt  }
0x7f: {  	_ =	shalt  }
0x80: {  	_ =	shalt  }
0x81: {  	_ =	shalt  }
0x82: {  	_ =	shalt  }
0x83: {  	_ =	shalt  }
0x84: {  	_ =	shalt  }
0x85: {  	_ =	shalt  }
0x86: {  	_ =	shalt  }
0x87: {  	_ =	shalt  }
.Lfunc_end0:
.L_simem_size_0:
called_computation_lowered:
.L_overlay_start_0:
0x88: {  	s2 =	sld [smem:$0x3FD9]  }
0x89: {  	s3 =	sld [smem:$0x3FFE];
	_ =	sdelay $0x1  }
0x8a: {  	s1 =	srdreg.scid  }
0x8b: {  	s0 =	sand.u32 $0x1, s1  }
0x8c: {  	s17 =	sshll.u32 s0, $0xA;
	s2 =	sadd.s32 s3, s2  }
0x8d: {  	s2 =	sadd.s32 s2, s17  }
0x8e: {  	[smem:$0x3FC6] =	sst s2  }
0x8f: {  	_ = 	snop  }
0x90: {  	s2 =	sld [smem:$0x3FD0];
	(tm) =	ssettm $0x1  }
0x91: {  	s18 =	sld [smem:$0x3FFB];
	_ =	sdelay $0x3  }
0x92: {  	_ =	strace s18  }
0x93: {  	s3 =	sld [smem:$0x3FFC];
	_ =	sdelay $0x3  }
0x94: {  	_ =	strace s3  }
0x95: {  	s3 =	sld [smem:$0x3FFD];
	_ =	sdelay $0x3  }
0x96: {  	_ =	strace s3  }
0x97: {  	_ =	strace $0x8FFFFFFF  }
0x98: {  	s19 =	sld [smem:$0x3FDB];
	_ =	sdelay $0x1  }
0x99: {  	s4 =	simm.s32 $_scs_section_size  }
0x9a: {  	s5 =	simm.s32 $_size__tile_overlayer_lowered;
	s6 =	simm.s32 $_tile_overlayer_lowered  }
0x9b: {  	s22 =	simm.s32 $0x1BFF;
	s21 =	sshll.u32 s6, $0x1;
	s3 =	sadd.s32 s4, s19  }
0x9c: {  	s7 =	simm.s32 $0x0;
	s20 =	sshll.u32 s5, $0x1;
	s5 =	sadd.s32 s21, s3  }
0x9d: {  	[timem:s7], [sflag:s22] =	dma.local [hbm:s5], s20  }
0x9e: {  	_ =	swait.ge [sflag:s22], s20  }
0x9f: {  	s4 =	ssub.s32 $0x0, s20;
	[sflag:s22] =	ssyncset.done $0x0  }
0xa0: {  	[sflag:s22] =	ssyncadd.s32 s4;
	_ =	sdelay $0x1  }
0xa1: {  	s23 =	simm.s32 $0x1B8B  }
0xa2: {  	_ =	swait.ge [sflag:s23], $0x1  }
0xa3: {  	[sflag:s23] =	ssyncset.done $0x0  }
0xa4: {  	s25 =	simm.s32 $0x1B8E;
	s24 =	sld [smem:$0x3FFE];
	[sflag:s23] =	ssyncadd.s32 $0xFFFFFFFF  }
0xa5: {  	s26 =	simm.s32 $execute0_lowered;
	[smem:$0x3FD2] =	sst s25  }
0xa6: {  	s5 =	sshll.u32 s26, $0x1;
	_ =	strace $0x80000046;
	[dreg:$0x1] =	wrdreg $0xFFFFFFFF  }
0xa7: {  	s28 =	simm.s32 $_size_execute0_lowered;
	s3 =	sadd.s32 s3, s5;
	[dreg:$0x0] =	wrdreg $0x0  }
0xa8: {  	s5 =	sshll.u32 s28, $0x1;
	[dreg:$0x2] =	wrdreg s3  }
0xa9: {  	[dreg:$0x3] =	wrdreg s5  }
0xaa: {  	[dreg:$0x4] =	wrdreg $0xC0  }
0xab: {  	_ =	task [dreg:s7], $0x5FFFF  }
0xac: {  	[dreg:$0x1] =	wrdreg $0xFFFFFFFF  }
0xad: {  	[dreg:$0x0] =	wrdreg $0x60  }
0xae: {  	[dreg:$0x2] =	wrdreg s24  }
0xaf: {  	[dreg:$0x3] =	wrdreg s2  }
0xb0: {  	[dreg:$0x4] =	wrdreg $0x9  }
0xb1: {  	_ =	task.clear_ibuf [dreg:s7], $0x5FFFF;
	_ =	strace $0x90000046  }
0xb2: {  	s29 =	simm.s32 $0x9;
	_ =	strace $0x80000048  }
0xb3: {  	_ =	swait.ge [sflag:s29], $0x1  }
0xb4: {  	[sflag:s29] =	ssyncadd.s32 $0xFFFFFFFF  }
0xb5: {  	_ =	strace $0x90000048  }
0xb6: {  	_ =	sfence  }
0xb7: {  	s30 =	sld [smem:$0x0];
	_ =	sdelay $0x2  }
0xb8: {  	s31 =	sshll.u32 s1, $0xD;
	s1 =	sshrl.u32 s1, $0x2  }
0xb9: {  	s3 =	sand.u32 $0x4000, s31;
	s1 =	sadd.s32 s1, s30  }
0xba: {  	s0 =	sor.u32 s3, s0;
	s1 =	sshll.u32 s1, $0x11  }
0xbb: {  	s0 =	sor.u32 s1, s0  }
0xbc: {  	s0 =	sadd.s32 $0x8F2B, s0  }
0xbd: {  	[sflag:s0] =	ssyncadd.remote.s32 $0x1  }
0xbe: {  	_ =	sfence.sel $0xFFFF  }
0xbf: {  	[dreg:$0x0] =	wrdreg $0xFFFFFFFF;
	(pc) =	sbr.abs _section_cstart, $3  }
0xc0: {  	[dreg:$0x1] =	wrdreg $0xFFFFFFFF  }
0xc1: {  	_ =	task.clear_ibuf [dreg:s7], $0x2FFFF;
	_ =	strace $0x9FFFFFFF  }
0xc2: {  	(tm) =	ssettm $0x7FFFFFFF  }
0xc3: {  	_ =	shalt  }
tec
execute0_lowered:
.L_overlay_start_1:
0x0: {  	(tag) =	ssettag $0x1  }
0x1: {  	s0 =	srdreg.scid  }
0x2: {  	s1 =	rddreg [dreg:$0x0];
	s3 =	stileid.u32  }
0x3: {  	s6 =	rddreg [dreg:$0x1];
	s17 =	simm.s32 $0x80;
	s18 =	simm.s32 $0x400  }
0x4: {  	s19 =	simm.s32 $0x5;
	s20 =	simm.s32 $0x9C80;
	s21 =	simm.s32 $0x13900  }
0x5: {  	s28 =	simm.s32 $0x3;
	s29 =	simm.s32 $0x2;
	s30 =	simm.s32 $0x4  }
0x6: {  	s31 =	simm.s32 $0x0;
	s0 =	sand.u32 $0x1, s0;
	s4 =	sadd.s32 $0x400, s1  }
0x7: {  	s24 =	sadd.s32 $0xA2FA, s1;
	s2 =	sshll.u32 s0, $0x4;
	s0 =	ssub.s32 $0x2, s0  }
0x8: {  	s7 =	sor.u32 s3, s2;
	s2 =	simm.s32 $0x0;
	s3 =	sshll.u32 s3, $0x7  }
0x9: {  	s11 =	sshrl.u32 s0, $0x1;
	s8 =	sshrl.u32 s7, $0x3;
	[smem:$0x7FF] =	sst s2  }
0xa: {  	s9 =	sand.u32 $0x380, s3;
	s3 =	sadd.s32 $0xA200, s1;
	s23 =	smul.u32 $0x2710, s7  }
0xb: {  	s0 =	ssub.s32 s0, s11;
	s5 =	smul.u32 $0x4E400, s8;
	_ =	strace $0x80000047  }
0xc: {  	s12 =	smul.u32 $0x13C00, s8;
	[dreg:$0x4] =	wrdreg s24;
	s8 =	sadd.s32 $0x4FA, s1  }
0xd: {  	s11 =	smax.u32 s0, $0x1;
	s24 =	simm.s32 $0x16880;
	s26 =	sshrl.u32 s23, $0x3  }
0xe: {  	s23 =	simm.s32 $0x17080;
	s10 =	sor.u32 s9, s5;
	s5 =	sadd.s32 $0x3B200, s1  }
0xf: {  	s25 =	sor.u32 s9, s12;
	s12 =	sadd.s32 s4, s26;
	s26 =	simm.s32 $0x1  }
0x10: {  	s10 =	sshrl.u32 s10, $0x3;
	s13 =	sadd.s32 $0xFA, s12;
	s14 =	sadd.s32 $0x1F4, s12  }
0x11: {  	s15 =	sadd.s32 $0x2EE, s12;
	s16 =	sadd.s32 $0x3E8, s12;
	s10 =	sadd.s32 s10, s1  }
0x12: {  	s1 =	sshrl.u32 s25, $0x3;
	s25 =	simm.s32 $0x17880;
	s22 =	sadd.s32 $0x14000, s10  }
0x13: {  	v0 =	vimm.f32 $1.000000000e+00;
	s9 =	sadd.s32 $0x3C600, s10;
	s10 =	sadd.s32 s6, s1;
	[dreg:$0x3] =	wrdreg s22  }
.LBB2_1:
0x14: {  	s0 =	rddreg [dreg:$0x3]  }
0x15: {  	[tilespmem:s2], [sflag:$0x5] =	stream.strided.gather [hbm4b:s0+s17], $0x9C80, s18, s17, $0x38;
	[tilespmem:$0x18080] =	vst v63  }
0x16: {  	_ =	swait.ge [sflag:s19], $0x9C80  }
0x17: {  	[sflag:s19] =	ssyncset.done $0x0  }
0x18: {  	[sflag:s19] =	ssyncadd.s32 $0xFFFF6380  }
0x19: {  	[tilespmem:s20], [sflag:$0x5] =	stream.linear.gather [hbm4b:s5+s2], $0x9C80, $0x38;
	[tilespmem:$0x18080] =	vst v63  }
0x1a: {  	_ =	swait.ge [sflag:s19], $0x9C80  }
0x1b: {  	[sflag:s19] =	ssyncset.done $0x0  }
0x1c: {  	[sflag:s19] =	ssyncadd.s32 $0xFFFF6380  }
0x1d: {  	[tilespmem:s21], [sflag:$0x5] =	stream.linear.gather [hbm4b:s5+s2], $0x2710, $0x38;
	[tilespmem:$0x18080] =	vst v63  }
0x1e: {  	_ =	swait.ge [sflag:s19], $0x2710  }
0x1f: {  	[sflag:s19] =	ssyncset.done $0x0  }
0x20: {  	s7 =	simm.s32 $0x16080;
	[sflag:s19] =	ssyncadd.s32 $0xFFFFD8F0  }
0x21: {  	[tilespmem:s7], [sflag:$0x1] =	stream.linear.gather [hbm4b:s3+s2], $0x7D0, $0x38;
	[tilespmem:$0x18080] =	vst v63  }
0x22: {  	_ = 	snop  }
0x23: {  	[tilespmem:s23], [sflag:$0x3] =	stream.linear.gather [hbm4b:s4+s2], $0x7D0, $0x38;
	[tilespmem:$0x18080] =	vst v63  }
0x24: {  	s22 =	rddreg [dreg:$0x4]  }
0x25: {  	[tilespmem:s24], [sflag:$0x2] =	stream.linear.gather [hbm4b:s22+s2], $0x7D0, $0x38;
	[tilespmem:$0x18080] =	vst v63  }
0x26: {  	s1 =	simm.s32 $0x0  }
0x27: {  	[tilespmem:s25], [sflag:$0x4] =	stream.linear.gather [hbm4b:s8+s2], $0x7D0, $0x38;
	[tilespmem:$0x18080] =	vst v63  }
.LBB2_2:
0x28: {  	_ =	swait.ge [sflag:s26], $0x7D0  }
0x29: {  	[sflag:s26] =	ssyncset.done $0x0  }
0x2a: {  	[sflag:s26] =	ssyncadd.s32 $0xFFFFF830  }
0x2b: {  	_ =	swait.ge [sflag:s28], $0x7D0  }
0x2c: {  	[sflag:s28] =	ssyncset.done $0x0  }
0x2d: {  	s6 =	simm.s32 $0x160A0;
	[sflag:s28] =	ssyncadd.s32 $0xFFFFF830  }
0x2e: {  	v1 =	vld [tilespmem:s6+$0x20]  }
0x2f: {  	v2 =	vld [tilespmem:s6+$0xFFFFFFF0]  }
0x30: {  	v3 =	vld [tilespmem:s6+$0x0]  }
0x31: {  	s0 =	simm.s32 $0x170A0;
	v4 =	vld [tilespmem:s6+$0xFFFFFFE0]  }
0x32: {  	v5 =	vld [tilespmem:s0+$0x20]  }
0x33: {  	v6 =	vld [tilespmem:s6+$0x10]  }
0x34: {  	v7 =	vld [tilespmem:s0+$0xFFFFFFE0]  }
0x35: {  	v13 =	vld [tilespmem:s0+$0xFFFFFFF0]  }
0x36: {  	v14 =	vld [tilespmem:s0+$0x0]  }
0x37: {  	v16 =	vld [tilespmem:s0+$0x10]  }
0x38: {  	v8 =	vld.idx.msk [tilespmem:v1+s2+$0x0], $0xffff  }
0x39: {  	v12 =	vld.idx.msk [tilespmem:v4+s2+$0x0], $0xffff  }
0x3a: {  	v9 =	vld.idx.msk [tilespmem:v2+s2+$0x0], $0xffff  }
0x3b: {  	v10 =	vadd.s32 $0x2710, v1;
	v11 =	vld.idx.msk [tilespmem:v3+s2+$0x0], $0xffff  }
0x3c: {  	v18 =	vld.idx.msk [tilespmem:v6+s2+$0x0], $0xffff  }
0x3d: {  	[tilespmem:v5+s20+$0x0] =	vst.idx.add.f32.msk $0xffff, v8  }
0x3e: {  	v51 =	vadd.s32 $0x2710, v2;
	[tilespmem:v7+s20+$0x0] =	vst.idx.add.f32.msk $0xffff, v12  }
0x3f: {  	v54 =	vadd.s32 $0x2710, v6;
	[tilespmem:v13+s20+$0x0] =	vst.idx.add.f32.msk $0xffff, v9  }
0x40: {  	v15 =	vadd.s32 $0x2710, v5;
	v10 =	vld.idx.msk [tilespmem:v10+s2+$0x0], $0xffff  }
0x41: {  	v17 =	vadd.s32 $0x4E20, v1;
	[tilespmem:v14+s20+$0x0] =	vst.idx.add.f32.msk $0xffff, v11  }
0x42: {  	v8 =	vadd.s32 $0x2710, v4;
	[tilespmem:v16+s20+$0x0] =	vst.idx.add.f32.msk $0xffff, v18  }
0x43: {  	v52 =	vadd.s32 $0x2710, v3;
	v12 =	vld.idx.msk [tilespmem:v51+s2+$0x0], $0xffff  }
0x44: {  	v56 =	vadd.s32 $0x2710, v13;
	v11 =	vld.idx.msk [tilespmem:v54+s2+$0x0], $0xffff  }
0x45: {  	v58 =	vadd.s32 $0x2710, v16;
	[tilespmem:v15+s20+$0x0] =	vst.idx.add.f32.msk $0xffff, v10  }
0x46: {  	v53 =	vadd.s32 $0x4E20, v5;
	v15 =	vld.idx.msk [tilespmem:v17+s2+$0x0], $0xffff  }
0x47: {  	v1 =	vadd.s32 $0x7530, v1;
	v8 =	vld.idx.msk [tilespmem:v8+s2+$0x0], $0xffff  }
0x48: {  	v55 =	vadd.s32 $0x2710, v7;
	v10 =	vld.idx.msk [tilespmem:v52+s2+$0x0], $0xffff  }
0x49: {  	v19 =	vadd.s32 $0x2710, v14;
	[tilespmem:v56+s20+$0x0] =	vst.idx.add.f32.msk $0xffff, v12  }
0x4a: {  	v57 =	vadd.s32 $0x4E20, v4;
	[tilespmem:v58+s20+$0x0] =	vst.idx.add.f32.msk $0xffff, v11  }
0x4b: {  	v60 =	vadd.s32 $0x4E20, v6;
	[tilespmem:v53+s20+$0x0] =	vst.idx.add.f32.msk $0xffff, v15  }
0x4c: {  	v5 =	vadd.s32 $0x7530, v5;
	v1 =	vld.idx.msk [tilespmem:v1+s2+$0x0], $0xffff  }
0x4d: {  	[tilespmem:v55+s20+$0x0] =	vst.idx.add.f32.msk $0xffff, v8;
	v8 =	vadd.s32 $0x4E20, v2  }
0x4e: {  	v59 =	vadd.s32 $0x4E20, v3;
	[tilespmem:v19+s20+$0x0] =	vst.idx.add.f32.msk $0xffff, v10  }
0x4f: {  	v61 =	vadd.s32 $0x4E20, v7;
	v9 =	vld.idx.msk [tilespmem:v57+s2+$0x0], $0xffff  }
0x50: {  	v63 =	vadd.s32 $0x4E20, v16;
	v10 =	vld.idx.msk [tilespmem:v60+s2+$0x0], $0xffff  }
0x51: {  	[tilespmem:v5+s20+$0x0] =	vst.idx.add.f32.msk $0xffff, v1;
	v1 =	vadd.s32 $0x7530, v4  }
0x52: {  	v4 =	vadd.s32 $0x4E20, v13;
	v5 =	vld.idx.msk [tilespmem:v8+s2+$0x0], $0xffff  }
0x53: {  	v62 =	vld.idx.msk [tilespmem:v59+s2+$0x0], $0xffff;
	v8 =	vadd.s32 $0x4E20, v14  }
0x54: {  	v2 =	vadd.s32 $0x7530, v2;
	[tilespmem:v61+s20+$0x0] =	vst.idx.add.f32.msk $0xffff, v9  }
0x55: {  	v3 =	vadd.s32 $0x7530, v3;
	[tilespmem:v63+s20+$0x0] =	vst.idx.add.f32.msk $0xffff, v10  }
0x56: {  	v9 =	vld.idx.msk [tilespmem:v1+s2+$0x0], $0xffff;
	v1 =	vadd.s32 $0x7530, v6  }
0x57: {  	v7 =	vadd.s32 $0x7530, v7;
	[tilespmem:v4+s20+$0x0] =	vst.idx.add.f32.msk $0xffff, v5  }
0x58: {  	[tilespmem:v8+s20+$0x0] =	vst.idx.add.f32.msk $0xffff, v62  }
0x59: {  	v6 =	vld.idx.msk [tilespmem:v2+s2+$0x0], $0xffff  }
0x5a: {  	v5 =	vld.idx.msk [tilespmem:v3+s2+$0x0], $0xffff  }
0x5b: {  	v3 =	vld.idx.msk [tilespmem:v1+s2+$0x0], $0xffff  }
0x5c: {  	s22 =	simm.s32 $0x0;
	s6 =	simm.s32 $0x160F0;
	v4 =	vadd.s32 $0x7530, v13;
	v2 =	vadd.s32 $0x7530, v14;
	v1 =	vadd.s32 $0x7530, v16;
	[tilespmem:v7+s20+$0x0] =	vst.idx.add.f32.msk $0xffff, v9  }
.LBB2_3:
0x5d: {  	v7 =	vld [tilespmem:s6+$0x20];
	s22 =	sadd.s32 $0x5, s22  }
0x5e: {  	v8 =	vld [tilespmem:s6+$0xFFFFFFF0];
	p0 =	slt.u32 s22, $0x78  }
0x5f: {  	v9 =	vld [tilespmem:s6+$0x0]  }
0x60: {  	v10 =	vld [tilespmem:s6+$0x10]  }
0x61: {  	v11 =	vld [tilespmem:s6+$0xFFFFFFE0]  }
0x62: {  	s0 =	sadd.s32 $0x50, s0;
	[tilespmem:v4+s20+$0x0] =	vst.idx.add.f32.msk $0xffff, v6  }
0x63: {  	v6 =	vadd.s32 $0x2710, v8;
	v12 =	vadd.s32 $0x4E20, v8;
	v13 =	vadd.s32 $0x7530, v8;
	v14 =	vld [tilespmem:s0+$0x20]  }
0x64: {  	v4 =	vld [tilespmem:s0+$0xFFFFFFE0];
	v15 =	vadd.s32 $0x2710, v9;
	v16 =	vadd.s32 $0x4E20, v9;
	v17 =	vadd.s32 $0x7530, v9  }
0x65: {  	v18 =	vadd.s32 $0x2710, v10;
	v19 =	vadd.s32 $0x4E20, v10;
	v20 =	vadd.s32 $0x7530, v10;
	v21 =	vld.idx.msk [tilespmem:v7+s2+$0x0], $0xffff  }
0x66: {  	v22 =	vadd.s32 $0x2710, v11;
	v23 =	vadd.s32 $0x4E20, v11;
	v24 =	vadd.s32 $0x7530, v11;
	v8 =	vld.idx.msk [tilespmem:v8+s2+$0x0], $0xffff  }
0x67: {  	v25 =	vadd.s32 $0x2710, v7;
	v9 =	vld.idx.msk [tilespmem:v9+s2+$0x0], $0xffff  }
0x68: {  	v10 =	vld.idx.msk [tilespmem:v10+s2+$0x0], $0xffff  }
0x69: {  	v11 =	vld.idx.msk [tilespmem:v11+s2+$0x0], $0xffff;
	v26 =	vadd.s32 $0x2710, v4;
	v27 =	vadd.s32 $0x4E20, v4;
	v28 =	vadd.s32 $0x7530, v4  }
0x6a: {  	v29 =	vld [tilespmem:s0+$0xFFFFFFF0]  }
0x6b: {  	[tilespmem:v14+s20+$0x0] =	vst.idx.add.f32.msk $0xffff, v21  }
0x6c: {  	v21 =	vld.idx.msk [tilespmem:v25+s2+$0x0], $0xffff  }
0x6d: {  	v30 =	vadd.s32 $0x2710, v14;
	v25 =	vld [tilespmem:s0+$0x0]  }
0x6e: {  	v32 =	vadd.s32 $0x4E20, v7;
	v31 =	vld [tilespmem:s0+$0x10]  }
0x6f: {  	[tilespmem:v4+s20+$0x0] =	vst.idx.add.f32.msk $0xffff, v11;
	v11 =	vadd.s32 $0x2710, v29;
	v33 =	vadd.s32 $0x4E20, v29;
	v4 =	vadd.s32 $0x7530, v29  }
0x70: {  	v22 =	vld.idx.msk [tilespmem:v22+s2+$0x0], $0xffff  }
0x71: {  	[tilespmem:v2+s20+$0x0] =	vst.idx.add.f32.msk $0xffff, v5  }
0x72: {  	v5 =	vadd.s32 $0x2710, v25;
	v34 =	vadd.s32 $0x4E20, v25;
	v2 =	vadd.s32 $0x7530, v25;
	[tilespmem:v30+s20+$0x0] =	vst.idx.add.f32.msk $0xffff, v21  }
0x73: {  	v21 =	vadd.s32 $0x2710, v31;
	v30 =	vadd.s32 $0x4E20, v31;
	v35 =	vadd.s32 $0x7530, v31;
	v32 =	vld.idx.msk [tilespmem:v32+s2+$0x0], $0xffff  }
0x74: {  	[tilespmem:v29+s20+$0x0] =	vst.idx.add.f32.msk $0xffff, v8;
	v8 =	vadd.s32 $0x4E20, v14  }
0x75: {  	v7 =	vadd.s32 $0x7530, v7;
	[tilespmem:v25+s20+$0x0] =	vst.idx.add.f32.msk $0xffff, v9  }
0x76: {  	[tilespmem:v31+s20+$0x0] =	vst.idx.add.f32.msk $0xffff, v10  }
0x77: {  	v6 =	vld.idx.msk [tilespmem:v6+s2+$0x0], $0xffff  }
0x78: {  	v9 =	vld.idx.msk [tilespmem:v15+s2+$0x0], $0xffff  }
0x79: {  	[tilespmem:v8+s20+$0x0] =	vst.idx.add.f32.msk $0xffff, v32  }
0x7a: {  	v7 =	vld.idx.msk [tilespmem:v7+s2+$0x0], $0xffff  }
0x7b: {  	v10 =	vadd.s32 $0x7530, v14;
	v8 =	vld.idx.msk [tilespmem:v18+s2+$0x0], $0xffff  }
0x7c: {  	[tilespmem:v26+s20+$0x0] =	vst.idx.add.f32.msk $0xffff, v22  }
0x7d: {  	[tilespmem:v11+s20+$0x0] =	vst.idx.add.f32.msk $0xffff, v6  }
0x7e: {  	[tilespmem:v5+s20+$0x0] =	vst.idx.add.f32.msk $0xffff, v9  }
0x7f: {  	v5 =	vld.idx.msk [tilespmem:v23+s2+$0x0], $0xffff  }
0x80: {  	[tilespmem:v10+s20+$0x0] =	vst.idx.add.f32.msk $0xffff, v7  }
0x81: {  	[tilespmem:v21+s20+$0x0] =	vst.idx.add.f32.msk $0xffff, v8  }
0x82: {  	v6 =	vld.idx.msk [tilespmem:v12+s2+$0x0], $0xffff  }
0x83: {  	v7 =	vld.idx.msk [tilespmem:v16+s2+$0x0], $0xffff  }
0x84: {  	v8 =	vld.idx.msk [tilespmem:v19+s2+$0x0], $0xffff  }
0x85: {  	[tilespmem:v27+s20+$0x0] =	vst.idx.add.f32.msk $0xffff, v5  }
0x86: {  	v9 =	vld.idx.msk [tilespmem:v24+s2+$0x0], $0xffff  }
0x87: {  	[tilespmem:v1+s20+$0x0] =	vst.idx.add.f32.msk $0xffff, v3;
	v1 =	vmov v35  }
0x88: {  	[tilespmem:v33+s20+$0x0] =	vst.idx.add.f32.msk $0xffff, v6  }
0x89: {  	[tilespmem:v34+s20+$0x0] =	vst.idx.add.f32.msk $0xffff, v7  }
.Ltmp0:
0x8a: {  	[tilespmem:v30+s20+$0x0] =	vst.idx.add.f32.msk $0xffff, v8;
	(pc) =	sbr.rel @p0 .LBB2_3-.Ltmp0, $4  }
0x8b: {  	v6 =	vld.idx.msk [tilespmem:v13+s2+$0x0], $0xffff  }
0x8c: {  	v5 =	vld.idx.msk [tilespmem:v17+s2+$0x0], $0xffff  }
0x8d: {  	v3 =	vld.idx.msk [tilespmem:v20+s2+$0x0], $0xffff  }
0x8e: {  	s6 =	sadd.s32 $0x50, s6;
	[tilespmem:v28+s20+$0x0] =	vst.idx.add.f32.msk $0xffff, v9  }
0x8f: {  	_ = 	snop  }
0x90: {  	p0 =	seq.s32 s1, $0x4F  }
0x91: {  	s0 =	smul.u32 @!p0 $0xFA0, s1;
	_ =	sdelay $0x1  }
0x92: {  	[tilespmem:v4+s20+$0x0] =	vst.idx.add.f32.msk $0xffff, v6;
	s0 =	sshrl.u32 @!p0 s0, $0x3  }
0x93: {  	[tilespmem:v2+s20+$0x0] =	vst.idx.add.f32.msk $0xffff, v5;
	s0 =	sadd.s32 @!p0 $0x1F4, s0  }
0x94: {  	s22 =	simm.s32 @!p0 $0x0;
	s7 =	simm.s32 @!p0 $0x16080;
	[tilespmem:v1+s20+$0x0] =	vst.idx.add.f32.msk $0xffff, v3;
	s6 =	sadd.s32 @!p0 s3, s0  }
0x95: {  	[tilespmem:s7], [sflag:$0x1] =	stream.linear.gather @!p0 [hbm4b:s6+s22], $0x7D0, $0x38;
	[tilespmem:$0x18080] =	vst v63  }
0x96: {  	s0 =	sadd.s32 @!p0 s4, s0;
	s6 =	simm.s32 @!p0 $0x17080  }
0x97: {  	[tilespmem:s6], [sflag:$0x3] =	stream.linear.gather @!p0 [hbm4b:s0+s22], $0x7D0, $0x38;
	[tilespmem:$0x18080] =	vst v63  }
0x98: {  	_ =	swait.ge [sflag:s29], $0x7D0  }
0x99: {  	[sflag:s29] =	ssyncset.done $0x0  }
0x9a: {  	[sflag:s29] =	ssyncadd.s32 $0xFFFFF830  }
0x9b: {  	_ =	swait.ge [sflag:s30], $0x7D0  }
0x9c: {  	[sflag:s30] =	ssyncset.done $0x0  }
0x9d: {  	s22 =	simm.s32 $0x168A0;
	[sflag:s30] =	ssyncadd.s32 $0xFFFFF830  }
0x9e: {  	v1 =	vld [tilespmem:s22+$0x20]  }
0x9f: {  	v2 =	vld [tilespmem:s22+$0xFFFFFFF0]  }
0xa0: {  	v3 =	vld [tilespmem:s22+$0x0]  }
0xa1: {  	s0 =	simm.s32 $0x178A0;
	v4 =	vld [tilespmem:s22+$0xFFFFFFE0]  }
0xa2: {  	v5 =	vld [tilespmem:s0+$0x20]  }
0xa3: {  	v6 =	vld [tilespmem:s22+$0x10]  }
0xa4: {  	v7 =	vld [tilespmem:s0+$0xFFFFFFE0]  }
0xa5: {  	v13 =	vld [tilespmem:s0+$0xFFFFFFF0]  }
0xa6: {  	v14 =	vld [tilespmem:s0+$0x0]  }
0xa7: {  	v16 =	vld [tilespmem:s0+$0x10]  }
0xa8: {  	v8 =	vld.idx.msk [tilespmem:v1+s2+$0x0], $0xffff  }
0xa9: {  	v12 =	vld.idx.msk [tilespmem:v4+s2+$0x0], $0xffff  }
0xaa: {  	v9 =	vld.idx.msk [tilespmem:v2+s2+$0x0], $0xffff  }
0xab: {  	v10 =	vadd.s32 $0x2710, v1;
	v11 =	vld.idx.msk [tilespmem:v3+s2+$0x0], $0xffff  }
0xac: {  	v18 =	vld.idx.msk [tilespmem:v6+s2+$0x0], $0xffff  }
0xad: {  	[tilespmem:v5+s20+$0x0] =	vst.idx.add.f32.msk $0xffff, v8  }
0xae: {  	v51 =	vadd.s32 $0x2710, v2;
	[tilespmem:v7+s20+$0x0] =	vst.idx.add.f32.msk $0xffff, v12  }
0xaf: {  	v54 =	vadd.s32 $0x2710, v6;
	[tilespmem:v13+s20+$0x0] =	vst.idx.add.f32.msk $0xffff, v9  }
0xb0: {  	v15 =	vadd.s32 $0x2710, v5;
	v10 =	vld.idx.msk [tilespmem:v10+s2+$0x0], $0xffff  }
0xb1: {  	v17 =	vadd.s32 $0x4E20, v1;
	[tilespmem:v14+s20+$0x0] =	vst.idx.add.f32.msk $0xffff, v11  }
0xb2: {  	v8 =	vadd.s32 $0x2710, v4;
	[tilespmem:v16+s20+$0x0] =	vst.idx.add.f32.msk $0xffff, v18  }
0xb3: {  	v52 =	vadd.s32 $0x2710, v3;
	v12 =	vld.idx.msk [tilespmem:v51+s2+$0x0], $0xffff  }
0xb4: {  	v56 =	vadd.s32 $0x2710, v13;
	v11 =	vld.idx.msk [tilespmem:v54+s2+$0x0], $0xffff  }
0xb5: {  	v58 =	vadd.s32 $0x2710, v16;
	[tilespmem:v15+s20+$0x0] =	vst.idx.add.f32.msk $0xffff, v10  }
0xb6: {  	v53 =	vadd.s32 $0x4E20, v5;
	v15 =	vld.idx.msk [tilespmem:v17+s2+$0x0], $0xffff  }
0xb7: {  	v1 =	vadd.s32 $0x7530, v1;
	v8 =	vld.idx.msk [tilespmem:v8+s2+$0x0], $0xffff  }
0xb8: {  	v55 =	vadd.s32 $0x2710, v7;
	v10 =	vld.idx.msk [tilespmem:v52+s2+$0x0], $0xffff  }
0xb9: {  	v19 =	vadd.s32 $0x2710, v14;
	[tilespmem:v56+s20+$0x0] =	vst.idx.add.f32.msk $0xffff, v12  }
0xba: {  	v57 =	vadd.s32 $0x4E20, v4;
	[tilespmem:v58+s20+$0x0] =	vst.idx.add.f32.msk $0xffff, v11  }
0xbb: {  	v60 =	vadd.s32 $0x4E20, v6;
	[tilespmem:v53+s20+$0x0] =	vst.idx.add.f32.msk $0xffff, v15  }
0xbc: {  	v5 =	vadd.s32 $0x7530, v5;
	v1 =	vld.idx.msk [tilespmem:v1+s2+$0x0], $0xffff  }
0xbd: {  	[tilespmem:v55+s20+$0x0] =	vst.idx.add.f32.msk $0xffff, v8;
	v8 =	vadd.s32 $0x4E20, v2  }
0xbe: {  	v59 =	vadd.s32 $0x4E20, v3;
	[tilespmem:v19+s20+$0x0] =	vst.idx.add.f32.msk $0xffff, v10  }
0xbf: {  	v61 =	vadd.s32 $0x4E20, v7;
	v9 =	vld.idx.msk [tilespmem:v57+s2+$0x0], $0xffff  }
0xc0: {  	v63 =	vadd.s32 $0x4E20, v16;
	v10 =	vld.idx.msk [tilespmem:v60+s2+$0x0], $0xffff  }
0xc1: {  	[tilespmem:v5+s20+$0x0] =	vst.idx.add.f32.msk $0xffff, v1;
	v1 =	vadd.s32 $0x7530, v4  }
0xc2: {  	v4 =	vadd.s32 $0x4E20, v13;
	v5 =	vld.idx.msk [tilespmem:v8+s2+$0x0], $0xffff  }
0xc3: {  	v62 =	vld.idx.msk [tilespmem:v59+s2+$0x0], $0xffff;
	v8 =	vadd.s32 $0x4E20, v14  }
0xc4: {  	v2 =	vadd.s32 $0x7530, v2;
	[tilespmem:v61+s20+$0x0] =	vst.idx.add.f32.msk $0xffff, v9  }
0xc5: {  	v3 =	vadd.s32 $0x7530, v3;
	[tilespmem:v63+s20+$0x0] =	vst.idx.add.f32.msk $0xffff, v10  }
0xc6: {  	v9 =	vld.idx.msk [tilespmem:v1+s2+$0x0], $0xffff;
	v1 =	vadd.s32 $0x7530, v6  }
0xc7: {  	v7 =	vadd.s32 $0x7530, v7;
	[tilespmem:v4+s20+$0x0] =	vst.idx.add.f32.msk $0xffff, v5  }
0xc8: {  	[tilespmem:v8+s20+$0x0] =	vst.idx.add.f32.msk $0xffff, v62  }
0xc9: {  	v6 =	vld.idx.msk [tilespmem:v2+s2+$0x0], $0xffff  }
0xca: {  	v5 =	vld.idx.msk [tilespmem:v3+s2+$0x0], $0xffff  }
0xcb: {  	v3 =	vld.idx.msk [tilespmem:v1+s2+$0x0], $0xffff  }
0xcc: {  	s6 =	simm.s32 $0x168F0;
	s22 =	simm.s32 $0x0;
	v4 =	vadd.s32 $0x7530, v13;
	v2 =	vadd.s32 $0x7530, v14;
	v1 =	vadd.s32 $0x7530, v16;
	[tilespmem:v7+s20+$0x0] =	vst.idx.add.f32.msk $0xffff, v9  }
.LBB2_5:
0xcd: {  	v7 =	vld [tilespmem:s6+$0x20];
	s22 =	sadd.s32 $0x5, s22  }
0xce: {  	v8 =	vld [tilespmem:s6+$0xFFFFFFF0];
	p1 =	slt.u32 s22, $0x78  }
0xcf: {  	v9 =	vld [tilespmem:s6+$0x0]  }
0xd0: {  	v10 =	vld [tilespmem:s6+$0x10]  }
0xd1: {  	v11 =	vld [tilespmem:s6+$0xFFFFFFE0]  }
0xd2: {  	s0 =	sadd.s32 $0x50, s0;
	[tilespmem:v4+s20+$0x0] =	vst.idx.add.f32.msk $0xffff, v6  }
0xd3: {  	v6 =	vadd.s32 $0x2710, v8;
	v12 =	vadd.s32 $0x4E20, v8;
	v13 =	vadd.s32 $0x7530, v8;
	v14 =	vld [tilespmem:s0+$0x20]  }
0xd4: {  	v4 =	vld [tilespmem:s0+$0xFFFFFFE0];
	v15 =	vadd.s32 $0x2710, v9;
	v16 =	vadd.s32 $0x4E20, v9;
	v17 =	vadd.s32 $0x7530, v9  }
0xd5: {  	v18 =	vadd.s32 $0x2710, v10;
	v19 =	vadd.s32 $0x4E20, v10;
	v20 =	vadd.s32 $0x7530, v10;
	v21 =	vld.idx.msk [tilespmem:v7+s2+$0x0], $0xffff  }
0xd6: {  	v22 =	vadd.s32 $0x2710, v11;
	v23 =	vadd.s32 $0x4E20, v11;
	v24 =	vadd.s32 $0x7530, v11;
	v8 =	vld.idx.msk [tilespmem:v8+s2+$0x0], $0xffff  }
0xd7: {  	v25 =	vadd.s32 $0x2710, v7;
	v9 =	vld.idx.msk [tilespmem:v9+s2+$0x0], $0xffff  }
0xd8: {  	v10 =	vld.idx.msk [tilespmem:v10+s2+$0x0], $0xffff  }
0xd9: {  	v11 =	vld.idx.msk [tilespmem:v11+s2+$0x0], $0xffff;
	v26 =	vadd.s32 $0x2710, v4;
	v27 =	vadd.s32 $0x4E20, v4;
	v28 =	vadd.s32 $0x7530, v4  }
0xda: {  	v29 =	vld [tilespmem:s0+$0xFFFFFFF0]  }
0xdb: {  	[tilespmem:v14+s20+$0x0] =	vst.idx.add.f32.msk $0xffff, v21  }
0xdc: {  	v21 =	vld.idx.msk [tilespmem:v25+s2+$0x0], $0xffff  }
0xdd: {  	v30 =	vadd.s32 $0x2710, v14;
	v25 =	vld [tilespmem:s0+$0x0]  }
0xde: {  	v32 =	vadd.s32 $0x4E20, v7;
	v31 =	vld [tilespmem:s0+$0x10]  }
0xdf: {  	[tilespmem:v4+s20+$0x0] =	vst.idx.add.f32.msk $0xffff, v11;
	v11 =	vadd.s32 $0x2710, v29;
	v33 =	vadd.s32 $0x4E20, v29;
	v4 =	vadd.s32 $0x7530, v29  }
0xe0: {  	v22 =	vld.idx.msk [tilespmem:v22+s2+$0x0], $0xffff  }
0xe1: {  	[tilespmem:v2+s20+$0x0] =	vst.idx.add.f32.msk $0xffff, v5  }
0xe2: {  	v5 =	vadd.s32 $0x2710, v25;
	v34 =	vadd.s32 $0x4E20, v25;
	v2 =	vadd.s32 $0x7530, v25;
	[tilespmem:v30+s20+$0x0] =	vst.idx.add.f32.msk $0xffff, v21  }
0xe3: {  	v21 =	vadd.s32 $0x2710, v31;
	v30 =	vadd.s32 $0x4E20, v31;
	v35 =	vadd.s32 $0x7530, v31;
	v32 =	vld.idx.msk [tilespmem:v32+s2+$0x0], $0xffff  }
0xe4: {  	[tilespmem:v29+s20+$0x0] =	vst.idx.add.f32.msk $0xffff, v8;
	v8 =	vadd.s32 $0x4E20, v14  }
0xe5: {  	v7 =	vadd.s32 $0x7530, v7;
	[tilespmem:v25+s20+$0x0] =	vst.idx.add.f32.msk $0xffff, v9  }
0xe6: {  	[tilespmem:v31+s20+$0x0] =	vst.idx.add.f32.msk $0xffff, v10  }
0xe7: {  	v6 =	vld.idx.msk [tilespmem:v6+s2+$0x0], $0xffff  }
0xe8: {  	v9 =	vld.idx.msk [tilespmem:v15+s2+$0x0], $0xffff  }
0xe9: {  	[tilespmem:v8+s20+$0x0] =	vst.idx.add.f32.msk $0xffff, v32  }
0xea: {  	v7 =	vld.idx.msk [tilespmem:v7+s2+$0x0], $0xffff  }
0xeb: {  	v10 =	vadd.s32 $0x7530, v14;
	v8 =	vld.idx.msk [tilespmem:v18+s2+$0x0], $0xffff  }
0xec: {  	[tilespmem:v26+s20+$0x0] =	vst.idx.add.f32.msk $0xffff, v22  }
0xed: {  	[tilespmem:v11+s20+$0x0] =	vst.idx.add.f32.msk $0xffff, v6  }
0xee: {  	[tilespmem:v5+s20+$0x0] =	vst.idx.add.f32.msk $0xffff, v9  }
0xef: {  	v5 =	vld.idx.msk [tilespmem:v23+s2+$0x0], $0xffff  }
0xf0: {  	[tilespmem:v10+s20+$0x0] =	vst.idx.add.f32.msk $0xffff, v7  }
0xf1: {  	[tilespmem:v21+s20+$0x0] =	vst.idx.add.f32.msk $0xffff, v8  }
0xf2: {  	v6 =	vld.idx.msk [tilespmem:v12+s2+$0x0], $0xffff  }
0xf3: {  	v7 =	vld.idx.msk [tilespmem:v16+s2+$0x0], $0xffff  }
0xf4: {  	v8 =	vld.idx.msk [tilespmem:v19+s2+$0x0], $0xffff  }
0xf5: {  	[tilespmem:v27+s20+$0x0] =	vst.idx.add.f32.msk $0xffff, v5  }
0xf6: {  	v9 =	vld.idx.msk [tilespmem:v24+s2+$0x0], $0xffff  }
0xf7: {  	[tilespmem:v1+s20+$0x0] =	vst.idx.add.f32.msk $0xffff, v3;
	v1 =	vmov v35  }
0xf8: {  	[tilespmem:v33+s20+$0x0] =	vst.idx.add.f32.msk $0xffff, v6  }
0xf9: {  	[tilespmem:v34+s20+$0x0] =	vst.idx.add.f32.msk $0xffff, v7  }
.Ltmp1:
0xfa: {  	[tilespmem:v30+s20+$0x0] =	vst.idx.add.f32.msk $0xffff, v8;
	(pc) =	sbr.rel @p1 .LBB2_5-.Ltmp1, $4  }
0xfb: {  	v6 =	vld.idx.msk [tilespmem:v13+s2+$0x0], $0xffff  }
0xfc: {  	v5 =	vld.idx.msk [tilespmem:v17+s2+$0x0], $0xffff  }
0xfd: {  	v3 =	vld.idx.msk [tilespmem:v20+s2+$0x0], $0xffff  }
0xfe: {  	s6 =	sadd.s32 $0x50, s6;
	[tilespmem:v28+s20+$0x0] =	vst.idx.add.f32.msk $0xffff, v9  }
0xff: {  	_ =	sdelay $0x1  }
.Ltmp2:
0x100: {  	_ = 	snop;
	(pc) =	sbr.rel @p0 .LBB2_8-.Ltmp2, $4  }
0x101: {  	_ = 	snop  }
0x102: {  	[tilespmem:v4+s20+$0x0] =	vst.idx.add.f32.msk $0xffff, v6  }
0x103: {  	[tilespmem:v2+s20+$0x0] =	vst.idx.add.f32.msk $0xffff, v5  }
0x104: {  	[tilespmem:v1+s20+$0x0] =	vst.idx.add.f32.msk $0xffff, v3  }
0x105: {  	s0 =	smul.u32 $0xFA0, s1;
	_ =	sdelay $0x1  }
0x106: {  	s0 =	sshrl.u32 s0, $0x3  }
.Ltmp3:
0x107: {  	s0 =	sadd.s32 $0x2EE, s0;
	(pc) =	sbr.rel .LBB2_2-.Ltmp3, $4  }
0x108: {  	s6 =	sadd.s32 s3, s0  }
0x109: {  	[tilespmem:s24], [sflag:$0x2] =	stream.linear.gather [hbm4b:s6+s2], $0x7D0, $0x38;
	[tilespmem:$0x18080] =	vst v63  }
0x10a: {  	s1 =	sadd.s32 $0x1, s1;
	s0 =	sadd.s32 s4, s0  }
0x10b: {  	[tilespmem:s25], [sflag:$0x4] =	stream.linear.gather [hbm4b:s0+s2], $0x7D0, $0x38;
	[tilespmem:$0x18080] =	vst v63  }
.LBB2_8:
0x10c: {  	[tilespmem:s23], [sflag:$0x5] =	stream.linear.gather [hbm4b:s12+s2], $0x7D0, $0x38;
	[tilespmem:$0x18080] =	vst v63  }
0x10d: {  	_ =	swait.ge [sflag:s19], $0x7D0  }
0x10e: {  	[sflag:s19] =	ssyncset.done $0x0  }
0x10f: {  	s0 =	simm.s32 $0x170A0;
	[sflag:s19] =	ssyncadd.s32 $0xFFFFF830  }
0x110: {  	v4 =	vld [tilespmem:s0+$0x20]  }
0x111: {  	v5 =	vld [tilespmem:s0+$0xFFFFFFF0];
	_ =	sdelay $0x3  }
0x112: {  	v1 =	vld [tilespmem:s0+$0x0]  }
0x113: {  	v2 =	vld [tilespmem:s0+$0x10]  }
0x114: {  	v3 =	vld [tilespmem:s0+$0xFFFFFFE0]  }
0x115: {  	[tilespmem:v4+s21+$0x0] =	vst.idx.add.f32.msk $0xffff, v0  }
0x116: {  	s1 =	simm.s32 $0x170F0;
	s0 =	simm.s32 $0x0;
	[tilespmem:v5+s21+$0x0] =	vst.idx.add.f32.msk $0xffff, v0  }
.LBB2_9:
0x117: {  	v4 =	vld [tilespmem:s1+$0x20];
	s0 =	sadd.s32 $0x5, s0  }
0x118: {  	v5 =	vld [tilespmem:s1+$0xFFFFFFF0];
	p0 =	slt.u32 s0, $0x78  }
0x119: {  	v6 =	vld [tilespmem:s1+$0x0]  }
0x11a: {  	v7 =	vld [tilespmem:s1+$0x10]  }
0x11b: {  	v8 =	vld [tilespmem:s1+$0xFFFFFFE0]  }
.Ltmp4:
0x11c: {  	[tilespmem:v3+s21+$0x0] =	vst.idx.add.f32.msk $0xffff, v0;
	(pc) =	sbr.rel @p0 .LBB2_9-.Ltmp4, $4  }
0x11d: {  	[tilespmem:v1+s21+$0x0] =	vst.idx.add.f32.msk $0xffff, v0  }
0x11e: {  	[tilespmem:v2+s21+$0x0] =	vst.idx.add.f32.msk $0xffff, v0;
	v1 =	vmov v6  }
0x11f: {  	[tilespmem:v4+s21+$0x0] =	vst.idx.add.f32.msk $0xffff, v0;
	v2 =	vmov v7  }
0x120: {  	s1 =	sadd.s32 $0x50, s1;
	[tilespmem:v5+s21+$0x0] =	vst.idx.add.f32.msk $0xffff, v0;
	v3 =	vmov v8  }
0x121: {  	_ =	sdelay $0x3  }
0x122: {  	[tilespmem:v3+s21+$0x0] =	vst.idx.add.f32.msk $0xffff, v0  }
0x123: {  	[tilespmem:v1+s21+$0x0] =	vst.idx.add.f32.msk $0xffff, v0  }
0x124: {  	[tilespmem:v2+s21+$0x0] =	vst.idx.add.f32.msk $0xffff, v0  }
0x125: {  	[tilespmem:s23], [sflag:$0x5] =	stream.linear.gather [hbm4b:s13+s2], $0x7D0, $0x38;
	[tilespmem:$0x18080] =	vst v63  }
0x126: {  	_ =	swait.ge [sflag:s19], $0x7D0  }
0x127: {  	[sflag:s19] =	ssyncset.done $0x0  }
0x128: {  	s0 =	simm.s32 $0x170A0;
	[sflag:s19] =	ssyncadd.s32 $0xFFFFF830  }
0x129: {  	v4 =	vld [tilespmem:s0+$0x20]  }
0x12a: {  	v5 =	vld [tilespmem:s0+$0xFFFFFFF0];
	_ =	sdelay $0x3  }
0x12b: {  	v1 =	vld [tilespmem:s0+$0x0]  }
0x12c: {  	v2 =	vld [tilespmem:s0+$0x10]  }
0x12d: {  	v3 =	vld [tilespmem:s0+$0xFFFFFFE0]  }
0x12e: {  	[tilespmem:v4+s21+$0x0] =	vst.idx.add.f32.msk $0xffff, v0  }
0x12f: {  	s1 =	simm.s32 $0x170F0;
	s0 =	simm.s32 $0x0;
	[tilespmem:v5+s21+$0x0] =	vst.idx.add.f32.msk $0xffff, v0  }
.LBB2_11:
0x130: {  	v4 =	vld [tilespmem:s1+$0x20];
	s0 =	sadd.s32 $0x5, s0  }
0x131: {  	v5 =	vld [tilespmem:s1+$0xFFFFFFF0];
	p0 =	slt.u32 s0, $0x78  }
0x132: {  	v6 =	vld [tilespmem:s1+$0x0]  }
0x133: {  	v7 =	vld [tilespmem:s1+$0x10]  }
0x134: {  	v8 =	vld [tilespmem:s1+$0xFFFFFFE0]  }
.Ltmp5:
0x135: {  	[tilespmem:v3+s21+$0x0] =	vst.idx.add.f32.msk $0xffff, v0;
	(pc) =	sbr.rel @p0 .LBB2_11-.Ltmp5, $4  }
0x136: {  	[tilespmem:v1+s21+$0x0] =	vst.idx.add.f32.msk $0xffff, v0  }
0x137: {  	[tilespmem:v2+s21+$0x0] =	vst.idx.add.f32.msk $0xffff, v0;
	v1 =	vmov v6  }
0x138: {  	[tilespmem:v4+s21+$0x0] =	vst.idx.add.f32.msk $0xffff, v0;
	v2 =	vmov v7  }
0x139: {  	s1 =	sadd.s32 $0x50, s1;
	[tilespmem:v5+s21+$0x0] =	vst.idx.add.f32.msk $0xffff, v0;
	v3 =	vmov v8  }
0x13a: {  	_ =	sdelay $0x3  }
0x13b: {  	[tilespmem:v3+s21+$0x0] =	vst.idx.add.f32.msk $0xffff, v0  }
0x13c: {  	[tilespmem:v1+s21+$0x0] =	vst.idx.add.f32.msk $0xffff, v0  }
0x13d: {  	[tilespmem:v2+s21+$0x0] =	vst.idx.add.f32.msk $0xffff, v0  }
0x13e: {  	[tilespmem:s23], [sflag:$0x5] =	stream.linear.gather [hbm4b:s14+s2], $0x7D0, $0x38;
	[tilespmem:$0x18080] =	vst v63  }
0x13f: {  	_ =	swait.ge [sflag:s19], $0x7D0  }
0x140: {  	[sflag:s19] =	ssyncset.done $0x0  }
0x141: {  	s0 =	simm.s32 $0x170A0;
	[sflag:s19] =	ssyncadd.s32 $0xFFFFF830  }
0x142: {  	v4 =	vld [tilespmem:s0+$0x20]  }
0x143: {  	v5 =	vld [tilespmem:s0+$0xFFFFFFF0];
	_ =	sdelay $0x3  }
0x144: {  	v1 =	vld [tilespmem:s0+$0x0]  }
0x145: {  	v2 =	vld [tilespmem:s0+$0x10]  }
0x146: {  	v3 =	vld [tilespmem:s0+$0xFFFFFFE0]  }
0x147: {  	[tilespmem:v4+s21+$0x0] =	vst.idx.add.f32.msk $0xffff, v0  }
0x148: {  	s1 =	simm.s32 $0x170F0;
	s0 =	simm.s32 $0x0;
	[tilespmem:v5+s21+$0x0] =	vst.idx.add.f32.msk $0xffff, v0  }
.LBB2_13:
0x149: {  	v4 =	vld [tilespmem:s1+$0x20];
	s0 =	sadd.s32 $0x5, s0  }
0x14a: {  	v5 =	vld [tilespmem:s1+$0xFFFFFFF0];
	p0 =	slt.u32 s0, $0x78  }
0x14b: {  	v6 =	vld [tilespmem:s1+$0x0]  }
0x14c: {  	v7 =	vld [tilespmem:s1+$0x10]  }
0x14d: {  	v8 =	vld [tilespmem:s1+$0xFFFFFFE0]  }
.Ltmp6:
0x14e: {  	[tilespmem:v3+s21+$0x0] =	vst.idx.add.f32.msk $0xffff, v0;
	(pc) =	sbr.rel @p0 .LBB2_13-.Ltmp6, $4  }
0x14f: {  	[tilespmem:v1+s21+$0x0] =	vst.idx.add.f32.msk $0xffff, v0  }
0x150: {  	[tilespmem:v2+s21+$0x0] =	vst.idx.add.f32.msk $0xffff, v0;
	v1 =	vmov v6  }
0x151: {  	[tilespmem:v4+s21+$0x0] =	vst.idx.add.f32.msk $0xffff, v0;
	v2 =	vmov v7  }
0x152: {  	s1 =	sadd.s32 $0x50, s1;
	[tilespmem:v5+s21+$0x0] =	vst.idx.add.f32.msk $0xffff, v0;
	v3 =	vmov v8  }
0x153: {  	_ =	sdelay $0x3  }
0x154: {  	[tilespmem:v3+s21+$0x0] =	vst.idx.add.f32.msk $0xffff, v0  }
0x155: {  	[tilespmem:v1+s21+$0x0] =	vst.idx.add.f32.msk $0xffff, v0  }
0x156: {  	[tilespmem:v2+s21+$0x0] =	vst.idx.add.f32.msk $0xffff, v0  }
0x157: {  	[tilespmem:s23], [sflag:$0x5] =	stream.linear.gather [hbm4b:s15+s2], $0x7D0, $0x38;
	[tilespmem:$0x18080] =	vst v63  }
0x158: {  	_ =	swait.ge [sflag:s19], $0x7D0  }
0x159: {  	[sflag:s19] =	ssyncset.done $0x0  }
0x15a: {  	s0 =	simm.s32 $0x170A0;
	[sflag:s19] =	ssyncadd.s32 $0xFFFFF830  }
0x15b: {  	v4 =	vld [tilespmem:s0+$0x20]  }
0x15c: {  	v5 =	vld [tilespmem:s0+$0xFFFFFFF0];
	_ =	sdelay $0x3  }
0x15d: {  	v1 =	vld [tilespmem:s0+$0x0]  }
0x15e: {  	v2 =	vld [tilespmem:s0+$0x10]  }
0x15f: {  	v3 =	vld [tilespmem:s0+$0xFFFFFFE0]  }
0x160: {  	[tilespmem:v4+s21+$0x0] =	vst.idx.add.f32.msk $0xffff, v0  }
0x161: {  	s1 =	simm.s32 $0x170F0;
	s0 =	simm.s32 $0x0;
	[tilespmem:v5+s21+$0x0] =	vst.idx.add.f32.msk $0xffff, v0  }
.LBB2_15:
0x162: {  	v4 =	vld [tilespmem:s1+$0x20];
	s0 =	sadd.s32 $0x5, s0  }
0x163: {  	v5 =	vld [tilespmem:s1+$0xFFFFFFF0];
	p0 =	slt.u32 s0, $0x78  }
0x164: {  	v6 =	vld [tilespmem:s1+$0x0]  }
0x165: {  	v7 =	vld [tilespmem:s1+$0x10]  }
0x166: {  	v8 =	vld [tilespmem:s1+$0xFFFFFFE0]  }
.Ltmp7:
0x167: {  	[tilespmem:v3+s21+$0x0] =	vst.idx.add.f32.msk $0xffff, v0;
	(pc) =	sbr.rel @p0 .LBB2_15-.Ltmp7, $4  }
0x168: {  	[tilespmem:v1+s21+$0x0] =	vst.idx.add.f32.msk $0xffff, v0  }
0x169: {  	[tilespmem:v2+s21+$0x0] =	vst.idx.add.f32.msk $0xffff, v0;
	v1 =	vmov v6  }
0x16a: {  	[tilespmem:v4+s21+$0x0] =	vst.idx.add.f32.msk $0xffff, v0;
	v2 =	vmov v7  }
0x16b: {  	s1 =	sadd.s32 $0x50, s1;
	[tilespmem:v5+s21+$0x0] =	vst.idx.add.f32.msk $0xffff, v0;
	v3 =	vmov v8  }
0x16c: {  	_ =	sdelay $0x3  }
0x16d: {  	[tilespmem:v3+s21+$0x0] =	vst.idx.add.f32.msk $0xffff, v0  }
0x16e: {  	[tilespmem:v1+s21+$0x0] =	vst.idx.add.f32.msk $0xffff, v0  }
0x16f: {  	[tilespmem:v2+s21+$0x0] =	vst.idx.add.f32.msk $0xffff, v0  }
0x170: {  	[tilespmem:s23], [sflag:$0x5] =	stream.linear.gather [hbm4b:s16+s2], $0x7D0, $0x38;
	[tilespmem:$0x18080] =	vst v63  }
0x171: {  	_ =	swait.ge [sflag:s19], $0x7D0  }
0x172: {  	[sflag:s19] =	ssyncset.done $0x0  }
0x173: {  	s0 =	simm.s32 $0x170A0;
	[sflag:s19] =	ssyncadd.s32 $0xFFFFF830  }
0x174: {  	v4 =	vld [tilespmem:s0+$0x20]  }
0x175: {  	v5 =	vld [tilespmem:s0+$0xFFFFFFF0];
	_ =	sdelay $0x3  }
0x176: {  	v1 =	vld [tilespmem:s0+$0x0]  }
0x177: {  	v2 =	vld [tilespmem:s0+$0x10]  }
0x178: {  	v3 =	vld [tilespmem:s0+$0xFFFFFFE0]  }
0x179: {  	[tilespmem:v4+s21+$0x0] =	vst.idx.add.f32.msk $0xffff, v0  }
0x17a: {  	s1 =	simm.s32 $0x170F0;
	s0 =	simm.s32 $0x0;
	[tilespmem:v5+s21+$0x0] =	vst.idx.add.f32.msk $0xffff, v0  }
.LBB2_17:
0x17b: {  	v4 =	vld [tilespmem:s1+$0x20];
	s0 =	sadd.s32 $0x5, s0  }
0x17c: {  	v5 =	vld [tilespmem:s1+$0xFFFFFFF0];
	p0 =	slt.u32 s0, $0x78  }
0x17d: {  	v6 =	vld [tilespmem:s1+$0x0]  }
0x17e: {  	v7 =	vld [tilespmem:s1+$0x10]  }
0x17f: {  	v8 =	vld [tilespmem:s1+$0xFFFFFFE0]  }
.Ltmp8:
0x180: {  	[tilespmem:v3+s21+$0x0] =	vst.idx.add.f32.msk $0xffff, v0;
	(pc) =	sbr.rel @p0 .LBB2_17-.Ltmp8, $4  }
0x181: {  	[tilespmem:v1+s21+$0x0] =	vst.idx.add.f32.msk $0xffff, v0  }
0x182: {  	[tilespmem:v2+s21+$0x0] =	vst.idx.add.f32.msk $0xffff, v0;
	v1 =	vmov v6  }
0x183: {  	[tilespmem:v4+s21+$0x0] =	vst.idx.add.f32.msk $0xffff, v0;
	v2 =	vmov v7  }
0x184: {  	s1 =	sadd.s32 $0x50, s1;
	[tilespmem:v5+s21+$0x0] =	vst.idx.add.f32.msk $0xffff, v0;
	v3 =	vmov v8  }
0x185: {  	_ =	sdelay $0x3  }
0x186: {  	[tilespmem:v3+s21+$0x0] =	vst.idx.add.f32.msk $0xffff, v0  }
0x187: {  	[tilespmem:v1+s21+$0x0] =	vst.idx.add.f32.msk $0xffff, v0  }
0x188: {  	[tilespmem:v2+s21+$0x0] =	vst.idx.add.f32.msk $0xffff, v0  }
0x189: {  	[hbm4b:s9+s17] =	stream.strided.scatter [tilespmem:s20], [sflag:$0x5], $0x9C80, s18, s17, $0x38;
	[tilespmem:$0x18080] =	vst v63  }
0x18a: {  	s31 =	sadd.s32 $0x1, s31;
	_ =	swait.ge [sflag:s19], $0x9C80  }
0x18b: {  	p0 =	sne.s32 s31, s11;
	[sflag:s19] =	ssyncset.done $0x0  }
.Ltmp9:
0x18c: {  	[sflag:s19] =	ssyncadd.s32 $0xFFFF6380;
	(pc) =	sbr.rel @p0 .LBB2_1-.Ltmp9, $4  }
0x18d: {  	[hbm4b:s10+s17] =	stream.strided.scatter [tilespmem:s21], [sflag:$0x5], $0x2780, s18, s17, $0x38;
	[tilespmem:$0x18080] =	vst v63  }
0x18e: {  	_ =	swait.ge [sflag:s19], $0x2780  }
0x18f: {  	[sflag:s19] =	ssyncset.done $0x0  }
0x190: {  	[sflag:s19] =	ssyncadd.s32 $0xFFFFD880  }
0x191: {  	_ =	sfence.sel $0x180000  }
0x192: {  	[bflag:$0x0] =	sbarrier.arrive $0xFFFF  }
0x193: {  	_ =	strace $0x90000047  }
0x194: {  	s0 =	stileid.u32;
	[bflag:$0x2] =	sbarrier.arrive $0xFFFF  }
0x195: {  	p0 =	sne.s32 s0, $0x0;
	s0 =	rddreg [dreg:$0x2]  }
0x196: {  	s0 =	sadd.s32 @!p0 $0x100000, s0  }
0x197: {  	[sflag:s0] =	ssyncadd.tile.s32 @!p0 $0x1;
	_ =	shalt  }
.Lfunc_end2:
_tile_overlayer_lowered:
.L_overlay_start_2:
0x198: {  	(tag) =	ssettag $0x2  }
0x199: {  	s0 =	rddreg [dreg:$0x0];
	s2 =	stileid.u32  }
0x19a: {  	s1 =	rddreg [dreg:$0x1];
	p0 =	sne.s32 s2, $0x0  }
0x19b: {  	s3 =	rddreg [dreg:$0x2];
	[bflag:$0x3] =	sbarrier.arrive $0xFFFF;
	s2 =	simm.s32 @!p0 $0x1C05  }
0x19c: {  	[timem:s3], [sflag:s2] =	dma.local @!p0 [hbm:s0], s1  }
0x19d: {  	s0 =	simm.s32 @!p0 $0x5  }
0x19e: {  	_ =	swait.ge @!p0 [sflag:s0], s1  }
0x19f: {  	s1 =	ssub.s32 @!p0 $0x0, s1;
	[sflag:s0] =	ssyncset.done @!p0 $0x0  }
0x1a0: {  	[sflag:s0] =	ssyncadd.s32 @!p0 s1  }
0x1a1: {  	[bflag:$0x3] =	sbarrier.arrive $0xFFFF  }
0x1a2: {  	_ =	shalt  }

</sc_bundles>
